<compile_context>
chip_gen: v7x
topology: tpu7x:2x2x1
jax: 0.10.2.dev20260603
libtpu: 0.0.44.dev20260713+nightly
codegen_flags: <defaults>
</compile_context>

<pallas_src>
import functools

import jax
import jax.numpy as jnp
from jax import lax
from jax.experimental import pallas as pl
from jax.experimental.pallas import tpu as pltpu
from jax.experimental.pallas import tpu_sc as plsc

G = 8
K = 1024
D = 64
N = 9216
BN = 1024
NBLK = N // BN
BC = 512
NBLKC = N // BC

NC = 2
NS = 16
NW = NC * NS
B = N * G
B_PER_W = B // NW
CHUNK = 576
NCHUNK = B_PER_W // CHUNK


def _tc_body(x_ref, cb_ref, idx_ref, loss_ref, table_ref,
             w2_ref, cbn2_ref, iota_ref):
    @pl.when(pl.program_id(0) == 0)
    def _init():
        for g in range(G):
            cbg = cb_ref[g]
            cbn2_ref[g] = -2.0 * cbg
            w2_ref[g] = jnp.sum(cbg * cbg, axis=-1).reshape(1, K)
        iota_ref[...] = lax.broadcasted_iota(
            jnp.int32, (8, K), 1).astype(jnp.float32)
        cb2d = cb_ref[...].reshape(G * K, D)
        table_ref[:, :D] = cb2d
        table_ref[:, D:] = cb2d

    acc = jnp.float32(0.0)
    for g in range(G):
        xg = x_ref[:, g * D:(g + 1) * D]
        xw2 = lax.dot_general(xg, cbn2_ref[g], (((1,), (1,)), ((), ())),
                              preferred_element_type=jnp.float32)
        x2 = jnp.sum(xg * xg, axis=-1, keepdims=True)
        dist = (x2 + xw2) + w2_ref[g]
        m = jnp.min(dist, axis=-1, keepdims=True)
        iota = iota_ref[0:1, :]
        idxf = jnp.min(jnp.where(dist == m, iota, jnp.float32(K)),
                       axis=-1, keepdims=True)
        idx_ref[:, g:g + 1] = idxf.astype(jnp.int32) + g * K
        acc = acc + jnp.sum(m)
    loss_ref[...] = acc.reshape(1, 1, 1)


def _tc_distance_argmin(flat, codebooks):
    return pl.pallas_call(
        _tc_body,
        grid=(NBLK,),
        in_specs=[
            pl.BlockSpec((BN, G * D), lambda i: (i, 0)),
            pl.BlockSpec((G, K, D), lambda i: (0, 0, 0)),
        ],
        out_specs=[
            pl.BlockSpec((BN, G), lambda i: (i, 0)),
            pl.BlockSpec((1, 1, 1), lambda i: (i, 0, 0)),
            pl.BlockSpec((G * K, 2 * D), lambda i: (0, 0)),
        ],
        out_shape=[
            jax.ShapeDtypeStruct((N, G), jnp.int32),
            jax.ShapeDtypeStruct((NBLK, 1, 1), jnp.float32),
            jax.ShapeDtypeStruct((G * K, 2 * D), jnp.float32),
        ],
        scratch_shapes=[
            pltpu.VMEM((G, 1, K), jnp.float32),
            pltpu.VMEM((G, K, D), jnp.float32),
            pltpu.VMEM((8, K), jnp.float32),
        ],
    )(flat, codebooks)


def _sc_decode(table, idx_flat):
    mesh = plsc.VectorSubcoreMesh(core_axis_name="c", subcore_axis_name="s")

    @functools.partial(
        pl.kernel, mesh=mesh,
        out_type=jax.ShapeDtypeStruct((B, 2 * D), jnp.float32),
        scratch_types=[
            pltpu.VMEM((CHUNK,), jnp.int32),
            pltpu.VMEM((CHUNK, 2 * D), jnp.float32),
            pltpu.SemaphoreType.DMA,
        ],
    )
    def k(table_hbm, idx_hbm, out_hbm, idx_v, rows_v, sem):
        wid = lax.axis_index("s") * NC + lax.axis_index("c")
        base = wid * B_PER_W
        for c in range(NCHUNK):
            off = base + c * CHUNK
            pltpu.sync_copy(idx_hbm.at[pl.ds(off, CHUNK)], idx_v)
            pltpu.async_copy(table_hbm.at[idx_v], rows_v, sem).wait()
            pltpu.sync_copy(rows_v, out_hbm.at[pl.ds(off, CHUNK)])

    return k(table, idx_flat)


def _compact_body(in_ref, out_ref):
    x = in_ref[...].reshape(BC, G, 2 * D)
    out_ref[...] = x[:, :, :D].reshape(BC, G * D)


def _compact(quant_pad):
    return pl.pallas_call(
        _compact_body,
        grid=(NBLKC,),
        in_specs=[pl.BlockSpec((BC * G, 2 * D), lambda i: (i, 0))],
        out_specs=pl.BlockSpec((BC, G * D), lambda i: (i, 0)),
        out_shape=jax.ShapeDtypeStruct((N, G * D), jnp.float32),
    )(quant_pad)


def kernel(latents, codebooks):
    flat = latents.reshape(N, G * D)
    idx_all, loss_parts, table = _tc_distance_argmin(flat, codebooks)
    quant_pad = _sc_decode(table, idx_all.reshape(B))
    quantized = _compact(quant_pad).reshape(latents.shape)
    vq_loss = jnp.sum(loss_parts) * (1.25 / (N * G * D))
    return (quantized, vq_loss)

# --- scband reference (transcript-rebuilt; emitter-appended) ---
"""Pipeline reference for scband-group-vector-quantizer-59828894433281 (READ-ONLY COPY).

The authoritative reference and input builder live on the scoring server;
editing this copy changes nothing except your own understanding.
"""

import jax, jax.numpy as jnp
import numpy as np

BETA = 0.25

def setup_inputs(seed: int = 0) -> dict:
    key = jax.random.key(seed)
    k1, k2 = jax.random.split(key)
    latents = jax.random.normal(k1, (16, 576, 512), dtype=jnp.float32)
    # 8 codebooks, each [K=1024, D=64], init uniform(-1/K, 1/K) like the torch module
    codebooks = jax.random.uniform(k2, (8, 1024, 64), dtype=jnp.float32, minval=-1.0/1024.0, maxval=1.0/1024.0)
    return {"latents": latents, "codebooks": codebooks}

def reference(latents, codebooks):
    G, K, D = codebooks.shape
    orig_shape = latents.shape
    # '... (G D) -> N G D'
    flat = latents.reshape(-1, G, D)
    # pairwise squared L2 distances per group: ||x||^2 - 2 x.w + ||w||^2
    x2 = jnp.sum(flat * flat, axis=-1, keepdims=True)          # [N, G, 1]
    w2 = jnp.sum(codebooks * codebooks, axis=-1)               # [G, K]
    xw = jnp.einsum('ngd,gkd->ngk', flat, codebooks)           # [N, G, K]
    dist = x2 - 2.0 * xw + w2[None, :, :]                      # [N, G, K]
    encoding_inds = jnp.argmin(dist, axis=-1)                  # [N, G]
    # decode: gather from each group's codebook
    quant_flat = codebooks[jnp.arange(G)[None, :], encoding_inds]  # [N, G, D]
    quantized = quant_flat.reshape(orig_shape)
    commitment_loss = jnp.mean((jax.lax.stop_gradient(quantized) - latents) ** 2)
    embedding_loss = jnp.mean((quantized - jax.lax.stop_gradient(latents)) ** 2)
    vq_loss = commitment_loss * BETA + embedding_loss
    # straight-through estimator
    quantized_st = latents + jax.lax.stop_gradient(quantized - latents)
    return (quantized_st, vq_loss)

if __name__ == "__main__":
    import jax
    _d = setup_inputs()
    print(jax.jit(kernel)(*tuple(_d.values())))

</pallas_src>

<mosaic_0001>
#map = affine_map<(d0, d1) -> (0, 0)>
#map1 = affine_map<(d0, d1) -> (0)>
module attributes {stable_mosaic.version = 14 : i64} {
  func.func @k(%arg0: i32, %arg1: i32, %arg2: memref<8192x128xf32, #tpu.memory_space<hbm>>, %arg3: memref<73728xi32, #tpu.memory_space<hbm>>, %arg4: memref<73728x128xf32, #tpu.memory_space<hbm>>, %arg5: memref<576xi32, #tpu.memory_space<vmem>>, %arg6: memref<576x128xf32, #tpu.memory_space<vmem>>, %arg7: memref<!tpu.dma_semaphore, #tpu.memory_space<semaphore_mem>>) attributes {dimension_semantics = [#tpu.dimension_semantics<core_parallel>, #tpu.dimension_semantics<subcore_parallel>], iteration_bounds = array<i64: 2, 16>, scalar_prefetch = 0 : i64, scratch_operands = 3 : i64, tpu.core_type = #tpu.core_type<sc_vector_subcore>, window_params = [{transform_indices = #map}, {transform_indices = #map1}, {transform_indices = #map}]} {
    %mul3A = arith.constant 2 : i32
    %mul3A_0 = arith.muli %arg1, %mul3A : i32
    %add3A = arith.addi %mul3A_0, %arg0 : i32
    %mul3A_1 = arith.constant 2304 : i32
    %mul3A_2 = arith.muli %add3A, %mul3A_1 : i32
    %add3A_3 = arith.constant 0 : i32
    %add3A_4 = arith.addi %mul3A_2, %add3A_3 : i32
    "tpu.region"() ({
      %run_scoped3A = tpu.sem_alloc : memref<!tpu.dma_semaphore, #tpu.memory_space<semaphore_mem>>
      %dma_start3A_33 = tpu.memref_slice %arg3[%add3A_4] : memref<73728xi32, #tpu.memory_space<hbm>> -> memref<576xi32, #tpu.memory_space<hbm>>
      %dma_start3A_34 = tpu.memref_slice %arg3[%add3A_4] : memref<73728xi32, #tpu.memory_space<hbm>> -> memref<576xi32, #tpu.memory_space<hbm>>
      tpu.enqueue_dma source(%dma_start3A_34 : memref<576xi32, #tpu.memory_space<hbm>>) target(%arg5 : memref<576xi32, #tpu.memory_space<vmem>>) target_semaphore(%run_scoped3A : memref<!tpu.dma_semaphore, #tpu.memory_space<semaphore_mem>>)
      %dma_wait3A_35 = tpu.memref_slice %arg3[%add3A_4] : memref<73728xi32, #tpu.memory_space<hbm>> -> memref<576xi32, #tpu.memory_space<hbm>>
      %dma_wait3A_36 = tpu.memref_slice %arg3[%add3A_4] : memref<73728xi32, #tpu.memory_space<hbm>> -> memref<576xi32, #tpu.memory_space<hbm>>
      tpu.wait_dma2 semaphore(%run_scoped3A : memref<!tpu.dma_semaphore, #tpu.memory_space<semaphore_mem>>) src(%dma_wait3A_36 : memref<576xi32, #tpu.memory_space<hbm>>) dst(%arg5 : memref<576xi32, #tpu.memory_space<vmem>>)
      tpu.yield
    }) : () -> ()
    %dma_start3A = arith.constant 0 : i32
    %dma_start3A_5 = arith.constant 0 : i32
    %dma_start3A_6 = tpu.memref_slice %arg2[%dma_start3A, %dma_start3A_5] : memref<8192x128xf32, #tpu.memory_space<hbm>> -> memref<8192x128xf32, #tpu.memory_space<hbm>>
    tpu.enqueue_indirect_dma source(%dma_start3A_6 : memref<8192x128xf32, #tpu.memory_space<hbm>>) target(%arg6 : memref<576x128xf32, #tpu.memory_space<vmem>>) offsets(%arg5 : memref<576xi32, #tpu.memory_space<vmem>>) semaphore(%arg7 : memref<!tpu.dma_semaphore, #tpu.memory_space<semaphore_mem>>)
    %dma_wait3A = arith.constant 0 : i32
    %dma_wait3A_7 = arith.constant 0 : i32
    %dma_wait3A_8 = tpu.memref_slice %arg2[%dma_wait3A, %dma_wait3A_7] : memref<8192x128xf32, #tpu.memory_space<hbm>> -> memref<8192x128xf32, #tpu.memory_space<hbm>>
    tpu.wait_indirect_dma semaphore(%arg7 : memref<!tpu.dma_semaphore, #tpu.memory_space<semaphore_mem>>) src(%dma_wait3A_8 : memref<8192x128xf32, #tpu.memory_space<hbm>>) dst(%arg6 : memref<576x128xf32, #tpu.memory_space<vmem>>)
    "tpu.region"() ({
      %run_scoped3A = tpu.sem_alloc : memref<!tpu.dma_semaphore, #tpu.memory_space<semaphore_mem>>
      %dma_start3A_33 = arith.constant 0 : i32
      %dma_start3A_34 = tpu.memref_slice %arg4[%add3A_4, %dma_start3A_33] : memref<73728x128xf32, #tpu.memory_space<hbm>> -> memref<576x128xf32, #tpu.memory_space<hbm>>
      %dma_start3A_35 = arith.constant 0 : i32
      %dma_start3A_36 = tpu.memref_slice %arg4[%add3A_4, %dma_start3A_35] : memref<73728x128xf32, #tpu.memory_space<hbm>> -> memref<576x128xf32, #tpu.memory_space<hbm>>
      tpu.enqueue_dma source(%arg6 : memref<576x128xf32, #tpu.memory_space<vmem>>) target(%dma_start3A_36 : memref<576x128xf32, #tpu.memory_space<hbm>>) target_semaphore(%run_scoped3A : memref<!tpu.dma_semaphore, #tpu.memory_space<semaphore_mem>>)
      %dma_wait3A_37 = arith.constant 0 : i32
      %dma_wait3A_38 = tpu.memref_slice %arg4[%add3A_4, %dma_wait3A_37] : memref<73728x128xf32, #tpu.memory_space<hbm>> -> memref<576x128xf32, #tpu.memory_space<hbm>>
      %dma_wait3A_39 = arith.constant 0 : i32
      %dma_wait3A_40 = tpu.memref_slice %arg4[%add3A_4, %dma_wait3A_39] : memref<73728x128xf32, #tpu.memory_space<hbm>> -> memref<576x128xf32, #tpu.memory_space<hbm>>
      tpu.wait_dma2 semaphore(%run_scoped3A : memref<!tpu.dma_semaphore, #tpu.memory_space<semaphore_mem>>) src(%arg6 : memref<576x128xf32, #tpu.memory_space<vmem>>) dst(%dma_wait3A_40 : memref<576x128xf32, #tpu.memory_space<hbm>>)
      tpu.yield
    }) : () -> ()
    %add3A_9 = arith.constant 576 : i32
    %add3A_10 = arith.addi %mul3A_2, %add3A_9 : i32
    "tpu.region"() ({
      %run_scoped3A = tpu.sem_alloc : memref<!tpu.dma_semaphore, #tpu.memory_space<semaphore_mem>>
      %dma_start3A_33 = tpu.memref_slice %arg3[%add3A_10] : memref<73728xi32, #tpu.memory_space<hbm>> -> memref<576xi32, #tpu.memory_space<hbm>>
      %dma_start3A_34 = tpu.memref_slice %arg3[%add3A_10] : memref<73728xi32, #tpu.memory_space<hbm>> -> memref<576xi32, #tpu.memory_space<hbm>>
      tpu.enqueue_dma source(%dma_start3A_34 : memref<576xi32, #tpu.memory_space<hbm>>) target(%arg5 : memref<576xi32, #tpu.memory_space<vmem>>) target_semaphore(%run_scoped3A : memref<!tpu.dma_semaphore, #tpu.memory_space<semaphore_mem>>)
      %dma_wait3A_35 = tpu.memref_slice %arg3[%add3A_10] : memref<73728xi32, #tpu.memory_space<hbm>> -> memref<576xi32, #tpu.memory_space<hbm>>
      %dma_wait3A_36 = tpu.memref_slice %arg3[%add3A_10] : memref<73728xi32, #tpu.memory_space<hbm>> -> memref<576xi32, #tpu.memory_space<hbm>>
      tpu.wait_dma2 semaphore(%run_scoped3A : memref<!tpu.dma_semaphore, #tpu.memory_space<semaphore_mem>>) src(%dma_wait3A_36 : memref<576xi32, #tpu.memory_space<hbm>>) dst(%arg5 : memref<576xi32, #tpu.memory_space<vmem>>)
      tpu.yield
    }) : () -> ()
    %dma_start3A_11 = arith.constant 0 : i32
    %dma_start3A_12 = arith.constant 0 : i32
    %dma_start3A_13 = tpu.memref_slice %arg2[%dma_start3A_11, %dma_start3A_12] : memref<8192x128xf32, #tpu.memory_space<hbm>> -> memref<8192x128xf32, #tpu.memory_space<hbm>>
    tpu.enqueue_indirect_dma source(%dma_start3A_13 : memref<8192x128xf32, #tpu.memory_space<hbm>>) target(%arg6 : memref<576x128xf32, #tpu.memory_space<vmem>>) offsets(%arg5 : memref<576xi32, #tpu.memory_space<vmem>>) semaphore(%arg7 : memref<!tpu.dma_semaphore, #tpu.memory_space<semaphore_mem>>)
    %dma_wait3A_14 = arith.constant 0 : i32
    %dma_wait3A_15 = arith.constant 0 : i32
    %dma_wait3A_16 = tpu.memref_slice %arg2[%dma_wait3A_14, %dma_wait3A_15] : memref<8192x128xf32, #tpu.memory_space<hbm>> -> memref<8192x128xf32, #tpu.memory_space<hbm>>
    tpu.wait_indirect_dma semaphore(%arg7 : memref<!tpu.dma_semaphore, #tpu.memory_space<semaphore_mem>>) src(%dma_wait3A_16 : memref<8192x128xf32, #tpu.memory_space<hbm>>) dst(%arg6 : memref<576x128xf32, #tpu.memory_space<vmem>>)
    "tpu.region"() ({
      %run_scoped3A = tpu.sem_alloc : memref<!tpu.dma_semaphore, #tpu.memory_space<semaphore_mem>>
      %dma_start3A_33 = arith.constant 0 : i32
      %dma_start3A_34 = tpu.memref_slice %arg4[%add3A_10, %dma_start3A_33] : memref<73728x128xf32, #tpu.memory_space<hbm>> -> memref<576x128xf32, #tpu.memory_space<hbm>>
      %dma_start3A_35 = arith.constant 0 : i32
      %dma_start3A_36 = tpu.memref_slice %arg4[%add3A_10, %dma_start3A_35] : memref<73728x128xf32, #tpu.memory_space<hbm>> -> memref<576x128xf32, #tpu.memory_space<hbm>>
      tpu.enqueue_dma source(%arg6 : memref<576x128xf32, #tpu.memory_space<vmem>>) target(%dma_start3A_36 : memref<576x128xf32, #tpu.memory_space<hbm>>) target_semaphore(%run_scoped3A : memref<!tpu.dma_semaphore, #tpu.memory_space<semaphore_mem>>)
      %dma_wait3A_37 = arith.constant 0 : i32
      %dma_wait3A_38 = tpu.memref_slice %arg4[%add3A_10, %dma_wait3A_37] : memref<73728x128xf32, #tpu.memory_space<hbm>> -> memref<576x128xf32, #tpu.memory_space<hbm>>
      %dma_wait3A_39 = arith.constant 0 : i32
      %dma_wait3A_40 = tpu.memref_slice %arg4[%add3A_10, %dma_wait3A_39] : memref<73728x128xf32, #tpu.memory_space<hbm>> -> memref<576x128xf32, #tpu.memory_space<hbm>>
      tpu.wait_dma2 semaphore(%run_scoped3A : memref<!tpu.dma_semaphore, #tpu.memory_space<semaphore_mem>>) src(%arg6 : memref<576x128xf32, #tpu.memory_space<vmem>>) dst(%dma_wait3A_40 : memref<576x128xf32, #tpu.memory_space<hbm>>)
      tpu.yield
    }) : () -> ()
    %add3A_17 = arith.constant 1152 : i32
    %add3A_18 = arith.addi %mul3A_2, %add3A_17 : i32
    "tpu.region"() ({
      %run_scoped3A = tpu.sem_alloc : memref<!tpu.dma_semaphore, #tpu.memory_space<semaphore_mem>>
      %dma_start3A_33 = tpu.memref_slice %arg3[%add3A_18] : memref<73728xi32, #tpu.memory_space<hbm>> -> memref<576xi32, #tpu.memory_space<hbm>>
      %dma_start3A_34 = tpu.memref_slice %arg3[%add3A_18] : memref<73728xi32, #tpu.memory_space<hbm>> -> memref<576xi32, #tpu.memory_space<hbm>>
      tpu.enqueue_dma source(%dma_start3A_34 : memref<576xi32, #tpu.memory_space<hbm>>) target(%arg5 : memref<576xi32, #tpu.memory_space<vmem>>) target_semaphore(%run_scoped3A : memref<!tpu.dma_semaphore, #tpu.memory_space<semaphore_mem>>)
      %dma_wait3A_35 = tpu.memref_slice %arg3[%add3A_18] : memref<73728xi32, #tpu.memory_space<hbm>> -> memref<576xi32, #tpu.memory_space<hbm>>
      %dma_wait3A_36 = tpu.memref_slice %arg3[%add3A_18] : memref<73728xi32, #tpu.memory_space<hbm>> -> memref<576xi32, #tpu.memory_space<hbm>>
      tpu.wait_dma2 semaphore(%run_scoped3A : memref<!tpu.dma_semaphore, #tpu.memory_space<semaphore_mem>>) src(%dma_wait3A_36 : memref<576xi32, #tpu.memory_space<hbm>>) dst(%arg5 : memref<576xi32, #tpu.memory_space<vmem>>)
      tpu.yield
    }) : () -> ()
    %dma_start3A_19 = arith.constant 0 : i32
    %dma_start3A_20 = arith.constant 0 : i32
    %dma_start3A_21 = tpu.memref_slice %arg2[%dma_start3A_19, %dma_start3A_20] : memref<8192x128xf32, #tpu.memory_space<hbm>> -> memref<8192x128xf32, #tpu.memory_space<hbm>>
    tpu.enqueue_indirect_dma source(%dma_start3A_21 : memref<8192x128xf32, #tpu.memory_space<hbm>>) target(%arg6 : memref<576x128xf32, #tpu.memory_space<vmem>>) offsets(%arg5 : memref<576xi32, #tpu.memory_space<vmem>>) semaphore(%arg7 : memref<!tpu.dma_semaphore, #tpu.memory_space<semaphore_mem>>)
    %dma_wait3A_22 = arith.constant 0 : i32
    %dma_wait3A_23 = arith.constant 0 : i32
    %dma_wait3A_24 = tpu.memref_slice %arg2[%dma_wait3A_22, %dma_wait3A_23] : memref<8192x128xf32, #tpu.memory_space<hbm>> -> memref<8192x128xf32, #tpu.memory_space<hbm>>
    tpu.wait_indirect_dma semaphore(%arg7 : memref<!tpu.dma_semaphore, #tpu.memory_space<semaphore_mem>>) src(%dma_wait3A_24 : memref<8192x128xf32, #tpu.memory_space<hbm>>) dst(%arg6 : memref<576x128xf32, #tpu.memory_space<vmem>>)
    "tpu.region"() ({
      %run_scoped3A = tpu.sem_alloc : memref<!tpu.dma_semaphore, #tpu.memory_space<semaphore_mem>>
      %dma_start3A_33 = arith.constant 0 : i32
      %dma_start3A_34 = tpu.memref_slice %arg4[%add3A_18, %dma_start3A_33] : memref<73728x128xf32, #tpu.memory_space<hbm>> -> memref<576x128xf32, #tpu.memory_space<hbm>>
      %dma_start3A_35 = arith.constant 0 : i32
      %dma_start3A_36 = tpu.memref_slice %arg4[%add3A_18, %dma_start3A_35] : memref<73728x128xf32, #tpu.memory_space<hbm>> -> memref<576x128xf32, #tpu.memory_space<hbm>>
      tpu.enqueue_dma source(%arg6 : memref<576x128xf32, #tpu.memory_space<vmem>>) target(%dma_start3A_36 : memref<576x128xf32, #tpu.memory_space<hbm>>) target_semaphore(%run_scoped3A : memref<!tpu.dma_semaphore, #tpu.memory_space<semaphore_mem>>)
      %dma_wait3A_37 = arith.constant 0 : i32
      %dma_wait3A_38 = tpu.memref_slice %arg4[%add3A_18, %dma_wait3A_37] : memref<73728x128xf32, #tpu.memory_space<hbm>> -> memref<576x128xf32, #tpu.memory_space<hbm>>
      %dma_wait3A_39 = arith.constant 0 : i32
      %dma_wait3A_40 = tpu.memref_slice %arg4[%add3A_18, %dma_wait3A_39] : memref<73728x128xf32, #tpu.memory_space<hbm>> -> memref<576x128xf32, #tpu.memory_space<hbm>>
      tpu.wait_dma2 semaphore(%run_scoped3A : memref<!tpu.dma_semaphore, #tpu.memory_space<semaphore_mem>>) src(%arg6 : memref<576x128xf32, #tpu.memory_space<vmem>>) dst(%dma_wait3A_40 : memref<576x128xf32, #tpu.memory_space<hbm>>)
      tpu.yield
    }) : () -> ()
    %add3A_25 = arith.constant 1728 : i32
    %add3A_26 = arith.addi %mul3A_2, %add3A_25 : i32
    "tpu.region"() ({
      %run_scoped3A = tpu.sem_alloc : memref<!tpu.dma_semaphore, #tpu.memory_space<semaphore_mem>>
      %dma_start3A_33 = tpu.memref_slice %arg3[%add3A_26] : memref<73728xi32, #tpu.memory_space<hbm>> -> memref<576xi32, #tpu.memory_space<hbm>>
      %dma_start3A_34 = tpu.memref_slice %arg3[%add3A_26] : memref<73728xi32, #tpu.memory_space<hbm>> -> memref<576xi32, #tpu.memory_space<hbm>>
      tpu.enqueue_dma source(%dma_start3A_34 : memref<576xi32, #tpu.memory_space<hbm>>) target(%arg5 : memref<576xi32, #tpu.memory_space<vmem>>) target_semaphore(%run_scoped3A : memref<!tpu.dma_semaphore, #tpu.memory_space<semaphore_mem>>)
      %dma_wait3A_35 = tpu.memref_slice %arg3[%add3A_26] : memref<73728xi32, #tpu.memory_space<hbm>> -> memref<576xi32, #tpu.memory_space<hbm>>
      %dma_wait3A_36 = tpu.memref_slice %arg3[%add3A_26] : memref<73728xi32, #tpu.memory_space<hbm>> -> memref<576xi32, #tpu.memory_space<hbm>>
      tpu.wait_dma2 semaphore(%run_scoped3A : memref<!tpu.dma_semaphore, #tpu.memory_space<semaphore_mem>>) src(%dma_wait3A_36 : memref<576xi32, #tpu.memory_space<hbm>>) dst(%arg5 : memref<576xi32, #tpu.memory_space<vmem>>)
      tpu.yield
    }) : () -> ()
    %dma_start3A_27 = arith.constant 0 : i32
    %dma_start3A_28 = arith.constant 0 : i32
    %dma_start3A_29 = tpu.memref_slice %arg2[%dma_start3A_27, %dma_start3A_28] : memref<8192x128xf32, #tpu.memory_space<hbm>> -> memref<8192x128xf32, #tpu.memory_space<hbm>>
    tpu.enqueue_indirect_dma source(%dma_start3A_29 : memref<8192x128xf32, #tpu.memory_space<hbm>>) target(%arg6 : memref<576x128xf32, #tpu.memory_space<vmem>>) offsets(%arg5 : memref<576xi32, #tpu.memory_space<vmem>>) semaphore(%arg7 : memref<!tpu.dma_semaphore, #tpu.memory_space<semaphore_mem>>)
    %dma_wait3A_30 = arith.constant 0 : i32
    %dma_wait3A_31 = arith.constant 0 : i32
    %dma_wait3A_32 = tpu.memref_slice %arg2[%dma_wait3A_30, %dma_wait3A_31] : memref<8192x128xf32, #tpu.memory_space<hbm>> -> memref<8192x128xf32, #tpu.memory_space<hbm>>
    tpu.wait_indirect_dma semaphore(%arg7 : memref<!tpu.dma_semaphore, #tpu.memory_space<semaphore_mem>>) src(%dma_wait3A_32 : memref<8192x128xf32, #tpu.memory_space<hbm>>) dst(%arg6 : memref<576x128xf32, #tpu.memory_space<vmem>>)
    "tpu.region"() ({
      %run_scoped3A = tpu.sem_alloc : memref<!tpu.dma_semaphore, #tpu.memory_space<semaphore_mem>>
      %dma_start3A_33 = arith.constant 0 : i32
      %dma_start3A_34 = tpu.memref_slice %arg4[%add3A_26, %dma_start3A_33] : memref<73728x128xf32, #tpu.memory_space<hbm>> -> memref<576x128xf32, #tpu.memory_space<hbm>>
      %dma_start3A_35 = arith.constant 0 : i32
      %dma_start3A_36 = tpu.memref_slice %arg4[%add3A_26, %dma_start3A_35] : memref<73728x128xf32, #tpu.memory_space<hbm>> -> memref<576x128xf32, #tpu.memory_space<hbm>>
      tpu.enqueue_dma source(%arg6 : memref<576x128xf32, #tpu.memory_space<vmem>>) target(%dma_start3A_36 : memref<576x128xf32, #tpu.memory_space<hbm>>) target_semaphore(%run_scoped3A : memref<!tpu.dma_semaphore, #tpu.memory_space<semaphore_mem>>)
      %dma_wait3A_37 = arith.constant 0 : i32
      %dma_wait3A_38 = tpu.memref_slice %arg4[%add3A_26, %dma_wait3A_37] : memref<73728x128xf32, #tpu.memory_space<hbm>> -> memref<576x128xf32, #tpu.memory_space<hbm>>
      %dma_wait3A_39 = arith.constant 0 : i32
      %dma_wait3A_40 = tpu.memref_slice %arg4[%add3A_26, %dma_wait3A_39] : memref<73728x128xf32, #tpu.memory_space<hbm>> -> memref<576x128xf32, #tpu.memory_space<hbm>>
      tpu.wait_dma2 semaphore(%run_scoped3A : memref<!tpu.dma_semaphore, #tpu.memory_space<semaphore_mem>>) src(%arg6 : memref<576x128xf32, #tpu.memory_space<vmem>>) dst(%dma_wait3A_40 : memref<576x128xf32, #tpu.memory_space<hbm>>)
      tpu.yield
    }) : () -> ()
    return
  }
}

module attributes {stable_mosaic.version = 14 : i64} {
  func.func @_tc_body(%arg0: i32, %arg1: memref<1024x512xf32, #tpu.memory_space<vmem>>, %arg2: memref<8x1024x64xf32, #tpu.memory_space<vmem>>, %arg3: memref<1024x8xi32, #tpu.memory_space<vmem>>, %arg4: memref<1x1x1xf32, #tpu.memory_space<vmem>>, %arg5: memref<8192x128xf32, #tpu.memory_space<vmem>>, %arg6: memref<8x1x1024xf32, #tpu.memory_space<vmem>>, %arg7: memref<8x1024x64xf32, #tpu.memory_space<vmem>>, %arg8: memref<8x1024xf32, #tpu.memory_space<vmem>>) attributes {dimension_semantics = [#tpu.dimension_semantics<arbitrary>], iteration_bounds = array<i64: 9>, scalar_prefetch = 0 : i64, scratch_operands = 3 : i64, tpu.core_type = #tpu.core_type<tc>, window_params = [{transform_indices = @transform_0, window_bounds = array<i64: 1024, 512>}, {pipeline_mode = #tpu.pipeline_mode<synchronous>, transform_indices = @transform_1, window_bounds = array<i64: 8, 1024, 64>}, {transform_indices = @transform_2, window_bounds = array<i64: 1024, 8>}, {transform_indices = @transform_3, window_bounds = array<i64: 1, 1, 1>}, {pipeline_mode = #tpu.pipeline_mode<synchronous>, transform_indices = @transform_4, window_bounds = array<i64: 8192, 128>}]} {
    %eq3A = arith.constant 0 : i32
    %eq3A_0 = arith.cmpi eq, %arg0, %eq3A : i32
    %convert_element_type3A = arith.extui %eq3A_0 : i1 to i32
    %cond3A = arith.constant 0 : i32
    %cond3A_1 = arith.cmpi ne, %convert_element_type3A, %cond3A : i32
    scf.if %cond3A_1 {
      %get3A_413 = arith.constant 0 : index
      %get3A_414 = arith.constant 0 : index
      %get3A_415 = arith.constant 0 : index
      %get3A_416 = vector.load %arg2[%get3A_413, %get3A_414, %get3A_415] : memref<8x1024x64xf32, #tpu.memory_space<vmem>>, vector<1x1024x64xf32>
      %get3A_417 = vector.shape_cast %get3A_416 : vector<1x1024x64xf32> to vector<1024x64xf32>
      %mul3A_418 = arith.constant -2.000000e+00 : f32
      %mul3A_419 = vector.broadcast %mul3A_418 : f32 to vector<1024x64xf32>
      %mul3A_420 = arith.mulf %mul3A_419, %get3A_417 : vector<1024x64xf32>
      %swap3A_421 = arith.constant 0 : index
      %swap3A_422 = arith.constant 0 : index
      %swap3A_423 = arith.constant 0 : index
      %swap3A_424 = vector.load %arg7[%swap3A_421, %swap3A_422, %swap3A_423] : memref<8x1024x64xf32, #tpu.memory_space<vmem>>, vector<1x1024x64xf32>
      %swap3A_425 = vector.shape_cast %swap3A_424 : vector<1x1024x64xf32> to vector<1024x64xf32>
      %swap3A_426 = vector.shape_cast %mul3A_420 : vector<1024x64xf32> to vector<1x1024x64xf32>
      tpu.vector_store %arg7[%swap3A_421, %swap3A_422, %swap3A_423], %swap3A_426 {strides = array<i32>} : memref<8x1024x64xf32, #tpu.memory_space<vmem>>, vector<1x1024x64xf32>,
      %mul3A_427 = arith.mulf %get3A_417, %get3A_417 : vector<1024x64xf32>
      %reduce_sum3A_428 = arith.constant dense<0.000000e+00> : vector<1024xf32>
      %reduce_sum3A_429 = vector.multi_reduction <add>, %mul3A_427, %reduce_sum3A_428 [1] : vector<1024x64xf32> to vector<1024xf32>
      %reshape3A_430 = vector.shape_cast %reduce_sum3A_429 : vector<1024xf32> to vector<1x1024xf32>
      %swap3A_431 = arith.constant 0 : index
      %swap3A_432 = arith.constant 0 : index
      %swap3A_433 = arith.constant 0 : index
      %swap3A_434 = vector.load %arg6[%swap3A_431, %swap3A_432, %swap3A_433] : memref<8x1x1024xf32, #tpu.memory_space<vmem>>, vector<1x1x1024xf32>
      %swap3A_435 = vector.shape_cast %swap3A_434 : vector<1x1x1024xf32> to vector<1x1024xf32>
      %swap3A_436 = vector.shape_cast %reshape3A_430 : vector<1x1024xf32> to vector<1x1x1024xf32>
      tpu.vector_store %arg6[%swap3A_431, %swap3A_432, %swap3A_433], %swap3A_436 {strides = array<i32>} : memref<8x1x1024xf32, #tpu.memory_space<vmem>>, vector<1x1x1024xf32>,
      %get3A_437 = arith.constant 1 : index
      %get3A_438 = arith.constant 0 : index
      %get3A_439 = arith.constant 0 : index
      %get3A_440 = vector.load %arg2[%get3A_437, %get3A_438, %get3A_439] : memref<8x1024x64xf32, #tpu.memory_space<vmem>>, vector<1x1024x64xf32>
      %get3A_441 = vector.shape_cast %get3A_440 : vector<1x1024x64xf32> to vector<1024x64xf32>
      %mul3A_442 = arith.constant -2.000000e+00 : f32
      %mul3A_443 = vector.broadcast %mul3A_442 : f32 to vector<1024x64xf32>
      %mul3A_444 = arith.mulf %mul3A_443, %get3A_441 : vector<1024x64xf32>
      %swap3A_445 = arith.constant 1 : index
      %swap3A_446 = arith.constant 0 : index
      %swap3A_447 = arith.constant 0 : index
      %swap3A_448 = vector.load %arg7[%swap3A_445, %swap3A_446, %swap3A_447] : memref<8x1024x64xf32, #tpu.memory_space<vmem>>, vector<1x1024x64xf32>
      %swap3A_449 = vector.shape_cast %swap3A_448 : vector<1x1024x64xf32> to vector<1024x64xf32>
      %swap3A_450 = vector.shape_cast %mul3A_444 : vector<1024x64xf32> to vector<1x1024x64xf32>
      tpu.vector_store %arg7[%swap3A_445, %swap3A_446, %swap3A_447], %swap3A_450 {strides = array<i32>} : memref<8x1024x64xf32, #tpu.memory_space<vmem>>, vector<1x1024x64xf32>,
      %mul3A_451 = arith.mulf %get3A_441, %get3A_441 : vector<1024x64xf32>
      %reduce_sum3A_452 = arith.constant dense<0.000000e+00> : vector<1024xf32>
      %reduce_sum3A_453 = vector.multi_reduction <add>, %mul3A_451, %reduce_sum3A_452 [1] : vector<1024x64xf32> to vector<1024xf32>
      %reshape3A_454 = vector.shape_cast %reduce_sum3A_453 : vector<1024xf32> to vector<1x1024xf32>
      %swap3A_455 = arith.constant 1 : index
      %swap3A_456 = arith.constant 0 : index
      %swap3A_457 = arith.constant 0 : index
      %swap3A_458 = vector.load %arg6[%swap3A_455, %swap3A_456, %swap3A_457] : memref<8x1x1024xf32, #tpu.memory_space<vmem>>, vector<1x1x1024xf32>
      %swap3A_459 = vector.shape_cast %swap3A_458 : vector<1x1x1024xf32> to vector<1x1024xf32>
      %swap3A_460 = vector.shape_cast %reshape3A_454 : vector<1x1024xf32> to vector<1x1x1024xf32>
      tpu.vector_store %arg6[%swap3A_455, %swap3A_456, %swap3A_457], %swap3A_460 {strides = array<i32>} : memref<8x1x1024xf32, #tpu.memory_space<vmem>>, vector<1x1x1024xf32>,
      %get3A_461 = arith.constant 2 : index
      %get3A_462 = arith.constant 0 : index
      %get3A_463 = arith.constant 0 : index
      %get3A_464 = vector.load %arg2[%get3A_461, %get3A_462, %get3A_463] : memref<8x1024x64xf32, #tpu.memory_space<vmem>>, vector<1x1024x64xf32>
      %get3A_465 = vector.shape_cast %get3A_464 : vector<1x1024x64xf32> to vector<1024x64xf32>
      %mul3A_466 = arith.constant -2.000000e+00 : f32
      %mul3A_467 = vector.broadcast %mul3A_466 : f32 to vector<1024x64xf32>
      %mul3A_468 = arith.mulf %mul3A_467, %get3A_465 : vector<1024x64xf32>
      %swap3A_469 = arith.constant 2 : index
      %swap3A_470 = arith.constant 0 : index
      %swap3A_471 = arith.constant 0 : index
      %swap3A_472 = vector.load %arg7[%swap3A_469, %swap3A_470, %swap3A_471] : memref<8x1024x64xf32, #tpu.memory_space<vmem>>, vector<1x1024x64xf32>
      %swap3A_473 = vector.shape_cast %swap3A_472 : vector<1x1024x64xf32> to vector<1024x64xf32>
      %swap3A_474 = vector.shape_cast %mul3A_468 : vector<1024x64xf32> to vector<1x1024x64xf32>
      tpu.vector_store %arg7[%swap3A_469, %swap3A_470, %swap3A_471], %swap3A_474 {strides = array<i32>} : memref<8x1024x64xf32, #tpu.memory_space<vmem>>, vector<1x1024x64xf32>,
      %mul3A_475 = arith.mulf %get3A_465, %get3A_465 : vector<1024x64xf32>
      %reduce_sum3A_476 = arith.constant dense<0.000000e+00> : vector<1024xf32>
      %reduce_sum3A_477 = vector.multi_reduction <add>, %mul3A_475, %reduce_sum3A_476 [1] : vector<1024x64xf32> to vector<1024xf32>
      %reshape3A_478 = vector.shape_cast %reduce_sum3A_477 : vector<1024xf32> to vector<1x1024xf32>
      %swap3A_479 = arith.constant 2 : index
      %swap3A_480 = arith.constant 0 : index
      %swap3A_481 = arith.constant 0 : index
      %swap3A_482 = vector.load %arg6[%swap3A_479, %swap3A_480, %swap3A_481] : memref<8x1x1024xf32, #tpu.memory_space<vmem>>, vector<1x1x1024xf32>
      %swap3A_483 = vector.shape_cast %swap3A_482 : vector<1x1x1024xf32> to vector<1x1024xf32>
      %swap3A_484 = vector.shape_cast %reshape3A_478 : vector<1x1024xf32> to vector<1x1x1024xf32>
      tpu.vector_store %arg6[%swap3A_479, %swap3A_480, %swap3A_481], %swap3A_484 {strides = array<i32>} : memref<8x1x1024xf32, #tpu.memory_space<vmem>>, vector<1x1x1024xf32>,
      %get3A_485 = arith.constant 3 : index
      %get3A_486 = arith.constant 0 : index
      %get3A_487 = arith.constant 0 : index
      %get3A_488 = vector.load %arg2[%get3A_485, %get3A_486, %get3A_487] : memref<8x1024x64xf32, #tpu.memory_space<vmem>>, vector<1x1024x64xf32>
      %get3A_489 = vector.shape_cast %get3A_488 : vector<1x1024x64xf32> to vector<1024x64xf32>
      %mul3A_490 = arith.constant -2.000000e+00 : f32
      %mul3A_491 = vector.broadcast %mul3A_490 : f32 to vector<1024x64xf32>
      %mul3A_492 = arith.mulf %mul3A_491, %get3A_489 : vector<1024x64xf32>
      %swap3A_493 = arith.constant 3 : index
      %swap3A_494 = arith.constant 0 : index
      %swap3A_495 = arith.constant 0 : index
      %swap3A_496 = vector.load %arg7[%swap3A_493, %swap3A_494, %swap3A_495] : memref<8x1024x64xf32, #tpu.memory_space<vmem>>, vector<1x1024x64xf32>
      %swap3A_497 = vector.shape_cast %swap3A_496 : vector<1x1024x64xf32> to vector<1024x64xf32>
      %swap3A_498 = vector.shape_cast %mul3A_492 : vector<1024x64xf32> to vector<1x1024x64xf32>
      tpu.vector_store %arg7[%swap3A_493, %swap3A_494, %swap3A_495], %swap3A_498 {strides = array<i32>} : memref<8x1024x64xf32, #tpu.memory_space<vmem>>, vector<1x1024x64xf32>,
      %mul3A_499 = arith.mulf %get3A_489, %get3A_489 : vector<1024x64xf32>
      %reduce_sum3A_500 = arith.constant dense<0.000000e+00> : vector<1024xf32>
      %reduce_sum3A_501 = vector.multi_reduction <add>, %mul3A_499, %reduce_sum3A_500 [1] : vector<1024x64xf32> to vector<1024xf32>
      %reshape3A_502 = vector.shape_cast %reduce_sum3A_501 : vector<1024xf32> to vector<1x1024xf32>
      %swap3A_503 = arith.constant 3 : index
      %swap3A_504 = arith.constant 0 : index
      %swap3A_505 = arith.constant 0 : index
      %swap3A_506 = vector.load %arg6[%swap3A_503, %swap3A_504, %swap3A_505] : memref<8x1x1024xf32, #tpu.memory_space<vmem>>, vector<1x1x1024xf32>
      %swap3A_507 = vector.shape_cast %swap3A_506 : vector<1x1x1024xf32> to vector<1x1024xf32>
      %swap3A_508 = vector.shape_cast %reshape3A_502 : vector<1x1024xf32> to vector<1x1x1024xf32>
      tpu.vector_store %arg6[%swap3A_503, %swap3A_504, %swap3A_505], %swap3A_508 {strides = array<i32>} : memref<8x1x1024xf32, #tpu.memory_space<vmem>>, vector<1x1x1024xf32>,
      %get3A_509 = arith.constant 4 : index
      %get3A_510 = arith.constant 0 : index
      %get3A_511 = arith.constant 0 : index
      %get3A_512 = vector.load %arg2[%get3A_509, %get3A_510, %get3A_511] : memref<8x1024x64xf32, #tpu.memory_space<vmem>>, vector<1x1024x64xf32>
      %get3A_513 = vector.shape_cast %get3A_512 : vector<1x1024x64xf32> to vector<1024x64xf32>
      %mul3A_514 = arith.constant -2.000000e+00 : f32
      %mul3A_515 = vector.broadcast %mul3A_514 : f32 to vector<1024x64xf32>
      %mul3A_516 = arith.mulf %mul3A_515, %get3A_513 : vector<1024x64xf32>
      %swap3A_517 = arith.constant 4 : index
      %swap3A_518 = arith.constant 0 : index
      %swap3A_519 = arith.constant 0 : index
      %swap3A_520 = vector.load %arg7[%swap3A_517, %swap3A_518, %swap3A_519] : memref<8x1024x64xf32, #tpu.memory_space<vmem>>, vector<1x1024x64xf32>
      %swap3A_521 = vector.shape_cast %swap3A_520 : vector<1x1024x64xf32> to vector<1024x64xf32>
      %swap3A_522 = vector.shape_cast %mul3A_516 : vector<1024x64xf32> to vector<1x1024x64xf32>
      tpu.vector_store %arg7[%swap3A_517, %swap3A_518, %swap3A_519], %swap3A_522 {strides = array<i32>} : memref<8x1024x64xf32, #tpu.memory_space<vmem>>, vector<1x1024x64xf32>,
      %mul3A_523 = arith.mulf %get3A_513, %get3A_513 : vector<1024x64xf32>
      %reduce_sum3A_524 = arith.constant dense<0.000000e+00> : vector<1024xf32>
      %reduce_sum3A_525 = vector.multi_reduction <add>, %mul3A_523, %reduce_sum3A_524 [1] : vector<1024x64xf32> to vector<1024xf32>
      %reshape3A_526 = vector.shape_cast %reduce_sum3A_525 : vector<1024xf32> to vector<1x1024xf32>
      %swap3A_527 = arith.constant 4 : index
      %swap3A_528 = arith.constant 0 : index
      %swap3A_529 = arith.constant 0 : index
      %swap3A_530 = vector.load %arg6[%swap3A_527, %swap3A_528, %swap3A_529] : memref<8x1x1024xf32, #tpu.memory_space<vmem>>, vector<1x1x1024xf32>
      %swap3A_531 = vector.shape_cast %swap3A_530 : vector<1x1x1024xf32> to vector<1x1024xf32>
      %swap3A_532 = vector.shape_cast %reshape3A_526 : vector<1x1024xf32> to vector<1x1x1024xf32>
      tpu.vector_store %arg6[%swap3A_527, %swap3A_528, %swap3A_529], %swap3A_532 {strides = array<i32>} : memref<8x1x1024xf32, #tpu.memory_space<vmem>>, vector<1x1x1024xf32>,
      %get3A_533 = arith.constant 5 : index
      %get3A_534 = arith.constant 0 : index
      %get3A_535 = arith.constant 0 : index
      %get3A_536 = vector.load %arg2[%get3A_533, %get3A_534, %get3A_535] : memref<8x1024x64xf32, #tpu.memory_space<vmem>>, vector<1x1024x64xf32>
      %get3A_537 = vector.shape_cast %get3A_536 : vector<1x1024x64xf32> to vector<1024x64xf32>
      %mul3A_538 = arith.constant -2.000000e+00 : f32
      %mul3A_539 = vector.broadcast %mul3A_538 : f32 to vector<1024x64xf32>
      %mul3A_540 = arith.mulf %mul3A_539, %get3A_537 : vector<1024x64xf32>
      %swap3A_541 = arith.constant 5 : index
      %swap3A_542 = arith.constant 0 : index
      %swap3A_543 = arith.constant 0 : index
      %swap3A_544 = vector.load %arg7[%swap3A_541, %swap3A_542, %swap3A_543] : memref<8x1024x64xf32, #tpu.memory_space<vmem>>, vector<1x1024x64xf32>
      %swap3A_545 = vector.shape_cast %swap3A_544 : vector<1x1024x64xf32> to vector<1024x64xf32>
      %swap3A_546 = vector.shape_cast %mul3A_540 : vector<1024x64xf32> to vector<1x1024x64xf32>
      tpu.vector_store %arg7[%swap3A_541, %swap3A_542, %swap3A_543], %swap3A_546 {strides = array<i32>} : memref<8x1024x64xf32, #tpu.memory_space<vmem>>, vector<1x1024x64xf32>,
      %mul3A_547 = arith.mulf %get3A_537, %get3A_537 : vector<1024x64xf32>
      %reduce_sum3A_548 = arith.constant dense<0.000000e+00> : vector<1024xf32>
      %reduce_sum3A_549 = vector.multi_reduction <add>, %mul3A_547, %reduce_sum3A_548 [1] : vector<1024x64xf32> to vector<1024xf32>
      %reshape3A_550 = vector.shape_cast %reduce_sum3A_549 : vector<1024xf32> to vector<1x1024xf32>
      %swap3A_551 = arith.constant 5 : index
      %swap3A_552 = arith.constant 0 : index
      %swap3A_553 = arith.constant 0 : index
      %swap3A_554 = vector.load %arg6[%swap3A_551, %swap3A_552, %swap3A_553] : memref<8x1x1024xf32, #tpu.memory_space<vmem>>, vector<1x1x1024xf32>
      %swap3A_555 = vector.shape_cast %swap3A_554 : vector<1x1x1024xf32> to vector<1x1024xf32>
      %swap3A_556 = vector.shape_cast %reshape3A_550 : vector<1x1024xf32> to vector<1x1x1024xf32>
      tpu.vector_store %arg6[%swap3A_551, %swap3A_552, %swap3A_553], %swap3A_556 {strides = array<i32>} : memref<8x1x1024xf32, #tpu.memory_space<vmem>>, vector<1x1x1024xf32>,
      %get3A_557 = arith.constant 6 : index
      %get3A_558 = arith.constant 0 : index
      %get3A_559 = arith.constant 0 : index
      %get3A_560 = vector.load %arg2[%get3A_557, %get3A_558, %get3A_559] : memref<8x1024x64xf32, #tpu.memory_space<vmem>>, vector<1x1024x64xf32>
      %get3A_561 = vector.shape_cast %get3A_560 : vector<1x1024x64xf32> to vector<1024x64xf32>
      %mul3A_562 = arith.constant -2.000000e+00 : f32
      %mul3A_563 = vector.broadcast %mul3A_562 : f32 to vector<1024x64xf32>
      %mul3A_564 = arith.mulf %mul3A_563, %get3A_561 : vector<1024x64xf32>
      %swap3A_565 = arith.constant 6 : index
      %swap3A_566 = arith.constant 0 : index
      %swap3A_567 = arith.constant 0 : index
      %swap3A_568 = vector.load %arg7[%swap3A_565, %swap3A_566, %swap3A_567] : memref<8x1024x64xf32, #tpu.memory_space<vmem>>, vector<1x1024x64xf32>
      %swap3A_569 = vector.shape_cast %swap3A_568 : vector<1x1024x64xf32> to vector<1024x64xf32>
      %swap3A_570 = vector.shape_cast %mul3A_564 : vector<1024x64xf32> to vector<1x1024x64xf32>
      tpu.vector_store %arg7[%swap3A_565, %swap3A_566, %swap3A_567], %swap3A_570 {strides = array<i32>} : memref<8x1024x64xf32, #tpu.memory_space<vmem>>, vector<1x1024x64xf32>,
      %mul3A_571 = arith.mulf %get3A_561, %get3A_561 : vector<1024x64xf32>
      %reduce_sum3A_572 = arith.constant dense<0.000000e+00> : vector<1024xf32>
      %reduce_sum3A_573 = vector.multi_reduction <add>, %mul3A_571, %reduce_sum3A_572 [1] : vector<1024x64xf32> to vector<1024xf32>
      %reshape3A_574 = vector.shape_cast %reduce_sum3A_573 : vector<1024xf32> to vector<1x1024xf32>
      %swap3A_575 = arith.constant 6 : index
      %swap3A_576 = arith.constant 0 : index
      %swap3A_577 = arith.constant 0 : index
      %swap3A_578 = vector.load %arg6[%swap3A_575, %swap3A_576, %swap3A_577] : memref<8x1x1024xf32, #tpu.memory_space<vmem>>, vector<1x1x1024xf32>
      %swap3A_579 = vector.shape_cast %swap3A_578 : vector<1x1x1024xf32> to vector<1x1024xf32>
      %swap3A_580 = vector.shape_cast %reshape3A_574 : vector<1x1024xf32> to vector<1x1x1024xf32>
      tpu.vector_store %arg6[%swap3A_575, %swap3A_576, %swap3A_577], %swap3A_580 {strides = array<i32>} : memref<8x1x1024xf32, #tpu.memory_space<vmem>>, vector<1x1x1024xf32>,
      %get3A_581 = arith.constant 7 : index
      %get3A_582 = arith.constant 0 : index
      %get3A_583 = arith.constant 0 : index
      %get3A_584 = vector.load %arg2[%get3A_581, %get3A_582, %get3A_583] : memref<8x1024x64xf32, #tpu.memory_space<vmem>>, vector<1x1024x64xf32>
      %get3A_585 = vector.shape_cast %get3A_584 : vector<1x1024x64xf32> to vector<1024x64xf32>
      %mul3A_586 = arith.constant -2.000000e+00 : f32
      %mul3A_587 = vector.broadcast %mul3A_586 : f32 to vector<1024x64xf32>
      %mul3A_588 = arith.mulf %mul3A_587, %get3A_585 : vector<1024x64xf32>
      %swap3A_589 = arith.constant 7 : index
      %swap3A_590 = arith.constant 0 : index
      %swap3A_591 = arith.constant 0 : index
      %swap3A_592 = vector.load %arg7[%swap3A_589, %swap3A_590, %swap3A_591] : memref<8x1024x64xf32, #tpu.memory_space<vmem>>, vector<1x1024x64xf32>
      %swap3A_593 = vector.shape_cast %swap3A_592 : vector<1x1024x64xf32> to vector<1024x64xf32>
      %swap3A_594 = vector.shape_cast %mul3A_588 : vector<1024x64xf32> to vector<1x1024x64xf32>
      tpu.vector_store %arg7[%swap3A_589, %swap3A_590, %swap3A_591], %swap3A_594 {strides = array<i32>} : memref<8x1024x64xf32, #tpu.memory_space<vmem>>, vector<1x1024x64xf32>,
      %mul3A_595 = arith.mulf %get3A_585, %get3A_585 : vector<1024x64xf32>
      %reduce_sum3A_596 = arith.constant dense<0.000000e+00> : vector<1024xf32>
      %reduce_sum3A_597 = vector.multi_reduction <add>, %mul3A_595, %reduce_sum3A_596 [1] : vector<1024x64xf32> to vector<1024xf32>
      %reshape3A_598 = vector.shape_cast %reduce_sum3A_597 : vector<1024xf32> to vector<1x1024xf32>
      %swap3A_599 = arith.constant 7 : index
      %swap3A_600 = arith.constant 0 : index
      %swap3A_601 = arith.constant 0 : index
      %swap3A_602 = vector.load %arg6[%swap3A_599, %swap3A_600, %swap3A_601] : memref<8x1x1024xf32, #tpu.memory_space<vmem>>, vector<1x1x1024xf32>
      %swap3A_603 = vector.shape_cast %swap3A_602 : vector<1x1x1024xf32> to vector<1x1024xf32>
      %swap3A_604 = vector.shape_cast %reshape3A_598 : vector<1x1024xf32> to vector<1x1x1024xf32>
      tpu.vector_store %arg6[%swap3A_599, %swap3A_600, %swap3A_601], %swap3A_604 {strides = array<i32>} : memref<8x1x1024xf32, #tpu.memory_space<vmem>>, vector<1x1x1024xf32>,
      %iota3A = tpu.iota {dimensions = array<i32: 1>} : vector<8x1024xi32>
      %convert_element_type3A_605 = arith.sitofp %iota3A : vector<8x1024xi32> to vector<8x1024xf32>
      %swap3A_606 = arith.constant 0 : index
      %swap3A_607 = arith.constant 0 : index
      %swap3A_608 = vector.load %arg8[%swap3A_606, %swap3A_607] : memref<8x1024xf32, #tpu.memory_space<vmem>>, vector<8x1024xf32>
      tpu.vector_store %arg8[%swap3A_606, %swap3A_607], %convert_element_type3A_605 {strides = array<i32>} : memref<8x1024xf32, #tpu.memory_space<vmem>>, vector<8x1024xf32>,
      %get3A_609 = arith.constant 0 : index
      %get3A_610 = arith.constant 0 : index
      %get3A_611 = arith.constant 0 : index
      %get3A_612 = vector.load %arg2[%get3A_609, %get3A_610, %get3A_611] : memref<8x1024x64xf32, #tpu.memory_space<vmem>>, vector<8x1024x64xf32>
      %reshape3A_613 = vector.shape_cast %get3A_612 : vector<8x1024x64xf32> to vector<8192x64xf32>
      %swap3A_614 = arith.constant 0 : index
      %swap3A_615 = arith.constant 0 : index
      %swap3A_616 = vector.load %arg5[%swap3A_614, %swap3A_615] : memref<8192x128xf32, #tpu.memory_space<vmem>>, vector<8192x64xf32>
      tpu.vector_store %arg5[%swap3A_614, %swap3A_615], %reshape3A_613 {strides = array<i32>} : memref<8192x128xf32, #tpu.memory_space<vmem>>, vector<8192x64xf32>,
      %swap3A_617 = arith.constant 0 : index
      %swap3A_618 = arith.constant 64 : index
      %swap3A_619 = vector.load %arg5[%swap3A_617, %swap3A_618] : memref<8192x128xf32, #tpu.memory_space<vmem>>, vector<8192x64xf32>
      tpu.vector_store %arg5[%swap3A_617, %swap3A_618], %reshape3A_613 {strides = array<i32>} : memref<8192x128xf32, #tpu.memory_space<vmem>>, vector<8192x64xf32>,
    } else {
    }
    %get3A = arith.constant 0 : index
    %get3A_2 = arith.constant 0 : index
    %get3A_3 = vector.load %arg1[%get3A, %get3A_2] : memref<1024x512xf32, #tpu.memory_space<vmem>>, vector<1024x64xf32>
    %get3A_4 = arith.constant 0 : index
    %get3A_5 = arith.constant 0 : index
    %get3A_6 = arith.constant 0 : index
    %get3A_7 = vector.load %arg7[%get3A_4, %get3A_5, %get3A_6] : memref<8x1024x64xf32, #tpu.memory_space<vmem>>, vector<1x1024x64xf32>
    %get3A_8 = vector.shape_cast %get3A_7 : vector<1x1024x64xf32> to vector<1024x64xf32>
    %dot_general3A = arith.constant dense<0.000000e+00> : vector<1024x1024xf32>
    %dot_general3A_9 = tpu.matmul %get3A_3, %get3A_8, %dot_general3A {dimension_numbers = #tpu.dot_dimension_numbers<[1], [1], [0], [0], [0, 0, 1, 0], [], []>, transpose_lhs_hint = false} : vector<1024x64xf32>, vector<1024x64xf32>, vector<1024x1024xf32> -> vector<1024x1024xf32>
    %mul3A = arith.mulf %get3A_3, %get3A_3 : vector<1024x64xf32>
    %reduce_sum3A = arith.constant dense<0.000000e+00> : vector<1024xf32>
    %reduce_sum3A_10 = vector.multi_reduction <add>, %mul3A, %reduce_sum3A [1] : vector<1024x64xf32> to vector<1024xf32>
    %broadcast_in_dim3A = vector.shape_cast %reduce_sum3A_10 : vector<1024xf32> to vector<1024x1xf32>
    %add3A = vector.broadcast %broadcast_in_dim3A : vector<1024x1xf32> to vector<1024x1024xf32>
    %add3A_11 = arith.addf %add3A, %dot_general3A_9 : vector<1024x1024xf32>
    %get3A_12 = arith.constant 0 : index
    %get3A_13 = arith.constant 0 : index
    %get3A_14 = arith.constant 0 : index
    %get3A_15 = vector.load %arg6[%get3A_12, %get3A_13, %get3A_14] : memref<8x1x1024xf32, #tpu.memory_space<vmem>>, vector<1x1x1024xf32>
    %get3A_16 = vector.shape_cast %get3A_15 : vector<1x1x1024xf32> to vector<1x1024xf32>
    %add3A_17 = vector.broadcast %get3A_16 : vector<1x1024xf32> to vector<1024x1024xf32>
    %add3A_18 = arith.addf %add3A_11, %add3A_17 : vector<1024x1024xf32>
    %reduce_min3A = arith.constant dense<0x7F800000> : vector<1024xf32>
    %reduce_min3A_19 = vector.multi_reduction <minimumf>, %add3A_18, %reduce_min3A [1] : vector<1024x1024xf32> to vector<1024xf32>
    %broadcast_in_dim3A_20 = vector.shape_cast %reduce_min3A_19 : vector<1024xf32> to vector<1024x1xf32>
    %get3A_21 = arith.constant 0 : index
    %get3A_22 = arith.constant 0 : index
    %get3A_23 = vector.load %arg8[%get3A_21, %get3A_22] : memref<8x1024xf32, #tpu.memory_space<vmem>>, vector<1x1024xf32>
    %eq3A_24 = vector.broadcast %broadcast_in_dim3A_20 : vector<1024x1xf32> to vector<1024x1024xf32>
    %eq3A_25 = arith.cmpf oeq, %add3A_18, %eq3A_24 : vector<1024x1024xf32>
    %jit3A = arith.constant 1.024000e+03 : f32
    %broadcast_in_dim3A_26 = vector.shape_cast %get3A_23 : vector<1x1024xf32> to vector<1x1024xf32>
    %broadcast_in_dim3A_27 = vector.broadcast %broadcast_in_dim3A_26 : vector<1x1024xf32> to vector<1024x1024xf32>
    %broadcast_in_dim3A_28 = vector.broadcast %jit3A : f32 to vector<1024x1024xf32>
    %select_n3A = arith.select %eq3A_25, %broadcast_in_dim3A_27, %broadcast_in_dim3A_28 : vector<1024x1024xi1>, vector<1024x1024xf32>
    %reduce_min3A_29 = arith.constant dense<0x7F800000> : vector<1024xf32>
    %reduce_min3A_30 = vector.multi_reduction <minimumf>, %select_n3A, %reduce_min3A_29 [1] : vector<1024x1024xf32> to vector<1024xf32>
    %broadcast_in_dim3A_31 = vector.shape_cast %reduce_min3A_30 : vector<1024xf32> to vector<1024x1xf32>
    %convert_element_type3A_32 = arith.fptosi %broadcast_in_dim3A_31 : vector<1024x1xf32> to vector<1024x1xi32>
    %add3A_33 = arith.constant 0 : i32
    %add3A_34 = vector.broadcast %add3A_33 : i32 to vector<1024x1xi32>
    %add3A_35 = arith.addi %convert_element_type3A_32, %add3A_34 : vector<1024x1xi32>
    %swap3A = arith.constant 0 : index
    %swap3A_36 = arith.constant 0 : index
    %swap3A_37 = vector.load %arg3[%swap3A, %swap3A_36] : memref<1024x8xi32, #tpu.memory_space<vmem>>, vector<1024x1xi32>
    tpu.vector_store %arg3[%swap3A, %swap3A_36], %add3A_35 {strides = array<i32>} : memref<1024x8xi32, #tpu.memory_space<vmem>>, vector<1024x1xi32>,
    %reduce_sum3A_38 = vector.shape_cast %broadcast_in_dim3A_20 : vector<1024x1xf32> to vector<1x1024x1xf32>
    %reduce_sum3A_39 = arith.constant dense<0.000000e+00> : vector<1xf32>
    %reduce_sum3A_40 = vector.multi_reduction <add>, %reduce_sum3A_38, %reduce_sum3A_39 [1, 2] : vector<1x1024x1xf32> to vector<1xf32>
    %reduce_sum3A_41 = vector.shape_cast %reduce_sum3A_40 : vector<1xf32> to vector<1x1x1xf32>
    %reduce_sum3A_42 = vector.extract %reduce_sum3A_41[0, 0, 0] : f32 from vector<1x1x1xf32>
    %add3A_43 = arith.constant 0.000000e+00 : f32
    %add3A_44 = arith.addf %add3A_43, %reduce_sum3A_42 : f32
    %get3A_45 = arith.constant 0 : index
    %get3A_46 = arith.constant 64 : index
    %get3A_47 = vector.load %arg1[%get3A_45, %get3A_46] : memref<1024x512xf32, #tpu.memory_space<vmem>>, vector<1024x64xf32>
    %get3A_48 = arith.constant 1 : index
    %get3A_49 = arith.constant 0 : index
    %get3A_50 = arith.constant 0 : index
    %get3A_51 = vector.load %arg7[%get3A_48, %get3A_49, %get3A_50] : memref<8x1024x64xf32, #tpu.memory_space<vmem>>, vector<1x1024x64xf32>
    %get3A_52 = vector.shape_cast %get3A_51 : vector<1x1024x64xf32> to vector<1024x64xf32>
    %dot_general3A_53 = arith.constant dense<0.000000e+00> : vector<1024x1024xf32>
    %dot_general3A_54 = tpu.matmul %get3A_47, %get3A_52, %dot_general3A_53 {dimension_numbers = #tpu.dot_dimension_numbers<[1], [1], [0], [0], [0, 0, 1, 0], [], []>, transpose_lhs_hint = false} : vector<1024x64xf32>, vector<1024x64xf32>, vector<1024x1024xf32> -> vector<1024x1024xf32>
    %mul3A_55 = arith.mulf %get3A_47, %get3A_47 : vector<1024x64xf32>
    %reduce_sum3A_56 = arith.constant dense<0.000000e+00> : vector<1024xf32>
    %reduce_sum3A_57 = vector.multi_reduction <add>, %mul3A_55, %reduce_sum3A_56 [1] : vector<1024x64xf32> to vector<1024xf32>
    %broadcast_in_dim3A_58 = vector.shape_cast %reduce_sum3A_57 : vector<1024xf32> to vector<1024x1xf32>
    %add3A_59 = vector.broadcast %broadcast_in_dim3A_58 : vector<1024x1xf32> to vector<1024x1024xf32>
    %add3A_60 = arith.addf %add3A_59, %dot_general3A_54 : vector<1024x1024xf32>
    %get3A_61 = arith.constant 1 : index
    %get3A_62 = arith.constant 0 : index
    %get3A_63 = arith.constant 0 : index
    %get3A_64 = vector.load %arg6[%get3A_61, %get3A_62, %get3A_63] : memref<8x1x1024xf32, #tpu.memory_space<vmem>>, vector<1x1x1024xf32>
    %get3A_65 = vector.shape_cast %get3A_64 : vector<1x1x1024xf32> to vector<1x1024xf32>
    %add3A_66 = vector.broadcast %get3A_65 : vector<1x1024xf32> to vector<1024x1024xf32>
    %add3A_67 = arith.addf %add3A_60, %add3A_66 : vector<1024x1024xf32>
    %reduce_min3A_68 = arith.constant dense<0x7F800000> : vector<1024xf32>
    %reduce_min3A_69 = vector.multi_reduction <minimumf>, %add3A_67, %reduce_min3A_68 [1] : vector<1024x1024xf32> to vector<1024xf32>
    %broadcast_in_dim3A_70 = vector.shape_cast %reduce_min3A_69 : vector<1024xf32> to vector<1024x1xf32>
    %get3A_71 = arith.constant 0 : index
    %get3A_72 = arith.constant 0 : index
    %get3A_73 = vector.load %arg8[%get3A_71, %get3A_72] : memref<8x1024xf32, #tpu.memory_space<vmem>>, vector<1x1024xf32>
    %eq3A_74 = vector.broadcast %broadcast_in_dim3A_70 : vector<1024x1xf32> to vector<1024x1024xf32>
    %eq3A_75 = arith.cmpf oeq, %add3A_67, %eq3A_74 : vector<1024x1024xf32>
    %jit3A_76 = arith.constant 1.024000e+03 : f32
    %broadcast_in_dim3A_77 = vector.shape_cast %get3A_73 : vector<1x1024xf32> to vector<1x1024xf32>
    %broadcast_in_dim3A_78 = vector.broadcast %broadcast_in_dim3A_77 : vector<1x1024xf32> to vector<1024x1024xf32>
    %broadcast_in_dim3A_79 = vector.broadcast %jit3A_76 : f32 to vector<1024x1024xf32>
    %select_n3A_80 = arith.select %eq3A_75, %broadcast_in_dim3A_78, %broadcast_in_dim3A_79 : vector<1024x1024xi1>, vector<1024x1024xf32>
    %reduce_min3A_81 = arith.constant dense<0x7F800000> : vector<1024xf32>
    %reduce_min3A_82 = vector.multi_reduction <minimumf>, %select_n3A_80, %reduce_min3A_81 [1] : vector<1024x1024xf32> to vector<1024xf32>
    %broadcast_in_dim3A_83 = vector.shape_cast %reduce_min3A_82 : vector<1024xf32> to vector<1024x1xf32>
    %convert_element_type3A_84 = arith.fptosi %broadcast_in_dim3A_83 : vector<1024x1xf32> to vector<1024x1xi32>
    %add3A_85 = arith.constant 1024 : i32
    %add3A_86 = vector.broadcast %add3A_85 : i32 to vector<1024x1xi32>
    %add3A_87 = arith.addi %convert_element_type3A_84, %add3A_86 : vector<1024x1xi32>
    %swap3A_88 = arith.constant 0 : index
    %swap3A_89 = arith.constant 1 : index
    %swap3A_90 = vector.load %arg3[%swap3A_88, %swap3A_89] : memref<1024x8xi32, #tpu.memory_space<vmem>>, vector<1024x1xi32>
    tpu.vector_store %arg3[%swap3A_88, %swap3A_89], %add3A_87 {strides = array<i32>} : memref<1024x8xi32, #tpu.memory_space<vmem>>, vector<1024x1xi32>,
    %reduce_sum3A_91 = vector.shape_cast %broadcast_in_dim3A_70 : vector<1024x1xf32> to vector<1x1024x1xf32>
    %reduce_sum3A_92 = arith.constant dense<0.000000e+00> : vector<1xf32>
    %reduce_sum3A_93 = vector.multi_reduction <add>, %reduce_sum3A_91, %reduce_sum3A_92 [1, 2] : vector<1x1024x1xf32> to vector<1xf32>
    %reduce_sum3A_94 = vector.shape_cast %reduce_sum3A_93 : vector<1xf32> to vector<1x1x1xf32>
    %reduce_sum3A_95 = vector.extract %reduce_sum3A_94[0, 0, 0] : f32 from vector<1x1x1xf32>
    %add3A_96 = arith.addf %add3A_44, %reduce_sum3A_95 : f32
    %get3A_97 = arith.constant 0 : index
    %get3A_98 = arith.constant 128 : index
    %get3A_99 = vector.load %arg1[%get3A_97, %get3A_98] : memref<1024x512xf32, #tpu.memory_space<vmem>>, vector<1024x64xf32>
    %get3A_100 = arith.constant 2 : index
    %get3A_101 = arith.constant 0 : index
    %get3A_102 = arith.constant 0 : index
    %get3A_103 = vector.load %arg7[%get3A_100, %get3A_101, %get3A_102] : memref<8x1024x64xf32, #tpu.memory_space<vmem>>, vector<1x1024x64xf32>
    %get3A_104 = vector.shape_cast %get3A_103 : vector<1x1024x64xf32> to vector<1024x64xf32>
    %dot_general3A_105 = arith.constant dense<0.000000e+00> : vector<1024x1024xf32>
    %dot_general3A_106 = tpu.matmul %get3A_99, %get3A_104, %dot_general3A_105 {dimension_numbers = #tpu.dot_dimension_numbers<[1], [1], [0], [0], [0, 0, 1, 0], [], []>, transpose_lhs_hint = false} : vector<1024x64xf32>, vector<1024x64xf32>, vector<1024x1024xf32> -> vector<1024x1024xf32>
    %mul3A_107 = arith.mulf %get3A_99, %get3A_99 : vector<1024x64xf32>
    %reduce_sum3A_108 = arith.constant dense<0.000000e+00> : vector<1024xf32>
    %reduce_sum3A_109 = vector.multi_reduction <add>, %mul3A_107, %reduce_sum3A_108 [1] : vector<1024x64xf32> to vector<1024xf32>
    %broadcast_in_dim3A_110 = vector.shape_cast %reduce_sum3A_109 : vector<1024xf32> to vector<1024x1xf32>
    %add3A_111 = vector.broadcast %broadcast_in_dim3A_110 : vector<1024x1xf32> to vector<1024x1024xf32>
    %add3A_112 = arith.addf %add3A_111, %dot_general3A_106 : vector<1024x1024xf32>
    %get3A_113 = arith.constant 2 : index
    %get3A_114 = arith.constant 0 : index
    %get3A_115 = arith.constant 0 : index
    %get3A_116 = vector.load %arg6[%get3A_113, %get3A_114, %get3A_115] : memref<8x1x1024xf32, #tpu.memory_space<vmem>>, vector<1x1x1024xf32>
    %get3A_117 = vector.shape_cast %get3A_116 : vector<1x1x1024xf32> to vector<1x1024xf32>
    %add3A_118 = vector.broadcast %get3A_117 : vector<1x1024xf32> to vector<1024x1024xf32>
    %add3A_119 = arith.addf %add3A_112, %add3A_118 : vector<1024x1024xf32>
    %reduce_min3A_120 = arith.constant dense<0x7F800000> : vector<1024xf32>
    %reduce_min3A_121 = vector.multi_reduction <minimumf>, %add3A_119, %reduce_min3A_120 [1] : vector<1024x1024xf32> to vector<1024xf32>
    %broadcast_in_dim3A_122 = vector.shape_cast %reduce_min3A_121 : vector<1024xf32> to vector<1024x1xf32>
    %get3A_123 = arith.constant 0 : index
    %get3A_124 = arith.constant 0 : index
    %get3A_125 = vector.load %arg8[%get3A_123, %get3A_124] : memref<8x1024xf32, #tpu.memory_space<vmem>>, vector<1x1024xf32>
    %eq3A_126 = vector.broadcast %broadcast_in_dim3A_122 : vector<1024x1xf32> to vector<1024x1024xf32>
    %eq3A_127 = arith.cmpf oeq, %add3A_119, %eq3A_126 : vector<1024x1024xf32>
    %jit3A_128 = arith.constant 1.024000e+03 : f32
    %broadcast_in_dim3A_129 = vector.shape_cast %get3A_125 : vector<1x1024xf32> to vector<1x1024xf32>
    %broadcast_in_dim3A_130 = vector.broadcast %broadcast_in_dim3A_129 : vector<1x1024xf32> to vector<1024x1024xf32>
    %broadcast_in_dim3A_131 = vector.broadcast %jit3A_128 : f32 to vector<1024x1024xf32>
    %select_n3A_132 = arith.select %eq3A_127, %broadcast_in_dim3A_130, %broadcast_in_dim3A_131 : vector<1024x1024xi1>, vector<1024x1024xf32>
    %reduce_min3A_133 = arith.constant dense<0x7F800000> : vector<1024xf32>
    %reduce_min3A_134 = vector.multi_reduction <minimumf>, %select_n3A_132, %reduce_min3A_133 [1] : vector<1024x1024xf32> to vector<1024xf32>
    %broadcast_in_dim3A_135 = vector.shape_cast %reduce_min3A_134 : vector<1024xf32> to vector<1024x1xf32>
    %convert_element_type3A_136 = arith.fptosi %broadcast_in_dim3A_135 : vector<1024x1xf32> to vector<1024x1xi32>
    %add3A_137 = arith.constant 2048 : i32
    %add3A_138 = vector.broadcast %add3A_137 : i32 to vector<1024x1xi32>
    %add3A_139 = arith.addi %convert_element_type3A_136, %add3A_138 : vector<1024x1xi32>
    %swap3A_140 = arith.constant 0 : index
    %swap3A_141 = arith.constant 2 : index
    %swap3A_142 = vector.load %arg3[%swap3A_140, %swap3A_141] : memref<1024x8xi32, #tpu.memory_space<vmem>>, vector<1024x1xi32>
    tpu.vector_store %arg3[%swap3A_140, %swap3A_141], %add3A_139 {strides = array<i32>} : memref<1024x8xi32, #tpu.memory_space<vmem>>, vector<1024x1xi32>,
    %reduce_sum3A_143 = vector.shape_cast %broadcast_in_dim3A_122 : vector<1024x1xf32> to vector<1x1024x1xf32>
    %reduce_sum3A_144 = arith.constant dense<0.000000e+00> : vector<1xf32>
    %reduce_sum3A_145 = vector.multi_reduction <add>, %reduce_sum3A_143, %reduce_sum3A_144 [1, 2] : vector<1x1024x1xf32> to vector<1xf32>
    %reduce_sum3A_146 = vector.shape_cast %reduce_sum3A_145 : vector<1xf32> to vector<1x1x1xf32>
    %reduce_sum3A_147 = vector.extract %reduce_sum3A_146[0, 0, 0] : f32 from vector<1x1x1xf32>
    %add3A_148 = arith.addf %add3A_96, %reduce_sum3A_147 : f32
    %get3A_149 = arith.constant 0 : index
    %get3A_150 = arith.constant 192 : index
    %get3A_151 = vector.load %arg1[%get3A_149, %get3A_150] : memref<1024x512xf32, #tpu.memory_space<vmem>>, vector<1024x64xf32>
    %get3A_152 = arith.constant 3 : index
    %get3A_153 = arith.constant 0 : index
    %get3A_154 = arith.constant 0 : index
    %get3A_155 = vector.load %arg7[%get3A_152, %get3A_153, %get3A_154] : memref<8x1024x64xf32, #tpu.memory_space<vmem>>, vector<1x1024x64xf32>
    %get3A_156 = vector.shape_cast %get3A_155 : vector<1x1024x64xf32> to vector<1024x64xf32>
    %dot_general3A_157 = arith.constant dense<0.000000e+00> : vector<1024x1024xf32>
    %dot_general3A_158 = tpu.matmul %get3A_151, %get3A_156, %dot_general3A_157 {dimension_numbers = #tpu.dot_dimension_numbers<[1], [1], [0], [0], [0, 0, 1, 0], [], []>, transpose_lhs_hint = false} : vector<1024x64xf32>, vector<1024x64xf32>, vector<1024x1024xf32> -> vector<1024x1024xf32>
    %mul3A_159 = arith.mulf %get3A_151, %get3A_151 : vector<1024x64xf32>
    %reduce_sum3A_160 = arith.constant dense<0.000000e+00> : vector<1024xf32>
    %reduce_sum3A_161 = vector.multi_reduction <add>, %mul3A_159, %reduce_sum3A_160 [1] : vector<1024x64xf32> to vector<1024xf32>
    %broadcast_in_dim3A_162 = vector.shape_cast %reduce_sum3A_161 : vector<1024xf32> to vector<1024x1xf32>
    %add3A_163 = vector.broadcast %broadcast_in_dim3A_162 : vector<1024x1xf32> to vector<1024x1024xf32>
    %add3A_164 = arith.addf %add3A_163, %dot_general3A_158 : vector<1024x1024xf32>
    %get3A_165 = arith.constant 3 : index
    %get3A_166 = arith.constant 0 : index
    %get3A_167 = arith.constant 0 : index
    %get3A_168 = vector.load %arg6[%get3A_165, %get3A_166, %get3A_167] : memref<8x1x1024xf32, #tpu.memory_space<vmem>>, vector<1x1x1024xf32>
    %get3A_169 = vector.shape_cast %get3A_168 : vector<1x1x1024xf32> to vector<1x1024xf32>
    %add3A_170 = vector.broadcast %get3A_169 : vector<1x1024xf32> to vector<1024x1024xf32>
    %add3A_171 = arith.addf %add3A_164, %add3A_170 : vector<1024x1024xf32>
    %reduce_min3A_172 = arith.constant dense<0x7F800000> : vector<1024xf32>
    %reduce_min3A_173 = vector.multi_reduction <minimumf>, %add3A_171, %reduce_min3A_172 [1] : vector<1024x1024xf32> to vector<1024xf32>
    %broadcast_in_dim3A_174 = vector.shape_cast %reduce_min3A_173 : vector<1024xf32> to vector<1024x1xf32>
    %get3A_175 = arith.constant 0 : index
    %get3A_176 = arith.constant 0 : index
    %get3A_177 = vector.load %arg8[%get3A_175, %get3A_176] : memref<8x1024xf32, #tpu.memory_space<vmem>>, vector<1x1024xf32>
    %eq3A_178 = vector.broadcast %broadcast_in_dim3A_174 : vector<1024x1xf32> to vector<1024x1024xf32>
    %eq3A_179 = arith.cmpf oeq, %add3A_171, %eq3A_178 : vector<1024x1024xf32>
    %jit3A_180 = arith.constant 1.024000e+03 : f32
    %broadcast_in_dim3A_181 = vector.shape_cast %get3A_177 : vector<1x1024xf32> to vector<1x1024xf32>
    %broadcast_in_dim3A_182 = vector.broadcast %broadcast_in_dim3A_181 : vector<1x1024xf32> to vector<1024x1024xf32>
    %broadcast_in_dim3A_183 = vector.broadcast %jit3A_180 : f32 to vector<1024x1024xf32>
    %select_n3A_184 = arith.select %eq3A_179, %broadcast_in_dim3A_182, %broadcast_in_dim3A_183 : vector<1024x1024xi1>, vector<1024x1024xf32>
    %reduce_min3A_185 = arith.constant dense<0x7F800000> : vector<1024xf32>
    %reduce_min3A_186 = vector.multi_reduction <minimumf>, %select_n3A_184, %reduce_min3A_185 [1] : vector<1024x1024xf32> to vector<1024xf32>
    %broadcast_in_dim3A_187 = vector.shape_cast %reduce_min3A_186 : vector<1024xf32> to vector<1024x1xf32>
    %convert_element_type3A_188 = arith.fptosi %broadcast_in_dim3A_187 : vector<1024x1xf32> to vector<1024x1xi32>
    %add3A_189 = arith.constant 3072 : i32
    %add3A_190 = vector.broadcast %add3A_189 : i32 to vector<1024x1xi32>
    %add3A_191 = arith.addi %convert_element_type3A_188, %add3A_190 : vector<1024x1xi32>
    %swap3A_192 = arith.constant 0 : index
    %swap3A_193 = arith.constant 3 : index
    %swap3A_194 = vector.load %arg3[%swap3A_192, %swap3A_193] : memref<1024x8xi32, #tpu.memory_space<vmem>>, vector<1024x1xi32>
    tpu.vector_store %arg3[%swap3A_192, %swap3A_193], %add3A_191 {strides = array<i32>} : memref<1024x8xi32, #tpu.memory_space<vmem>>, vector<1024x1xi32>,
    %reduce_sum3A_195 = vector.shape_cast %broadcast_in_dim3A_174 : vector<1024x1xf32> to vector<1x1024x1xf32>
    %reduce_sum3A_196 = arith.constant dense<0.000000e+00> : vector<1xf32>
    %reduce_sum3A_197 = vector.multi_reduction <add>, %reduce_sum3A_195, %reduce_sum3A_196 [1, 2] : vector<1x1024x1xf32> to vector<1xf32>
    %reduce_sum3A_198 = vector.shape_cast %reduce_sum3A_197 : vector<1xf32> to vector<1x1x1xf32>
    %reduce_sum3A_199 = vector.extract %reduce_sum3A_198[0, 0, 0] : f32 from vector<1x1x1xf32>
    %add3A_200 = arith.addf %add3A_148, %reduce_sum3A_199 : f32
    %get3A_201 = arith.constant 0 : index
    %get3A_202 = arith.constant 256 : index
    %get3A_203 = vector.load %arg1[%get3A_201, %get3A_202] : memref<1024x512xf32, #tpu.memory_space<vmem>>, vector<1024x64xf32>
    %get3A_204 = arith.constant 4 : index
    %get3A_205 = arith.constant 0 : index
    %get3A_206 = arith.constant 0 : index
    %get3A_207 = vector.load %arg7[%get3A_204, %get3A_205, %get3A_206] : memref<8x1024x64xf32, #tpu.memory_space<vmem>>, vector<1x1024x64xf32>
    %get3A_208 = vector.shape_cast %get3A_207 : vector<1x1024x64xf32> to vector<1024x64xf32>
    %dot_general3A_209 = arith.constant dense<0.000000e+00> : vector<1024x1024xf32>
    %dot_general3A_210 = tpu.matmul %get3A_203, %get3A_208, %dot_general3A_209 {dimension_numbers = #tpu.dot_dimension_numbers<[1], [1], [0], [0], [0, 0, 1, 0], [], []>, transpose_lhs_hint = false} : vector<1024x64xf32>, vector<1024x64xf32>, vector<1024x1024xf32> -> vector<1024x1024xf32>
    %mul3A_211 = arith.mulf %get3A_203, %get3A_203 : vector<1024x64xf32>
    %reduce_sum3A_212 = arith.constant dense<0.000000e+00> : vector<1024xf32>
    %reduce_sum3A_213 = vector.multi_reduction <add>, %mul3A_211, %reduce_sum3A_212 [1] : vector<1024x64xf32> to vector<1024xf32>
    %broadcast_in_dim3A_214 = vector.shape_cast %reduce_sum3A_213 : vector<1024xf32> to vector<1024x1xf32>
    %add3A_215 = vector.broadcast %broadcast_in_dim3A_214 : vector<1024x1xf32> to vector<1024x1024xf32>
    %add3A_216 = arith.addf %add3A_215, %dot_general3A_210 : vector<1024x1024xf32>
    %get3A_217 = arith.constant 4 : index
    %get3A_218 = arith.constant 0 : index
    %get3A_219 = arith.constant 0 : index
    %get3A_220 = vector.load %arg6[%get3A_217, %get3A_218, %get3A_219] : memref<8x1x1024xf32, #tpu.memory_space<vmem>>, vector<1x1x1024xf32>
    %get3A_221 = vector.shape_cast %get3A_220 : vector<1x1x1024xf32> to vector<1x1024xf32>
    %add3A_222 = vector.broadcast %get3A_221 : vector<1x1024xf32> to vector<1024x1024xf32>
    %add3A_223 = arith.addf %add3A_216, %add3A_222 : vector<1024x1024xf32>
    %reduce_min3A_224 = arith.constant dense<0x7F800000> : vector<1024xf32>
    %reduce_min3A_225 = vector.multi_reduction <minimumf>, %add3A_223, %reduce_min3A_224 [1] : vector<1024x1024xf32> to vector<1024xf32>
    %broadcast_in_dim3A_226 = vector.shape_cast %reduce_min3A_225 : vector<1024xf32> to vector<1024x1xf32>
    %get3A_227 = arith.constant 0 : index
    %get3A_228 = arith.constant 0 : index
    %get3A_229 = vector.load %arg8[%get3A_227, %get3A_228] : memref<8x1024xf32, #tpu.memory_space<vmem>>, vector<1x1024xf32>
    %eq3A_230 = vector.broadcast %broadcast_in_dim3A_226 : vector<1024x1xf32> to vector<1024x1024xf32>
    %eq3A_231 = arith.cmpf oeq, %add3A_223, %eq3A_230 : vector<1024x1024xf32>
    %jit3A_232 = arith.constant 1.024000e+03 : f32
    %broadcast_in_dim3A_233 = vector.shape_cast %get3A_229 : vector<1x1024xf32> to vector<1x1024xf32>
    %broadcast_in_dim3A_234 = vector.broadcast %broadcast_in_dim3A_233 : vector<1x1024xf32> to vector<1024x1024xf32>
    %broadcast_in_dim3A_235 = vector.broadcast %jit3A_232 : f32 to vector<1024x1024xf32>
    %select_n3A_236 = arith.select %eq3A_231, %broadcast_in_dim3A_234, %broadcast_in_dim3A_235 : vector<1024x1024xi1>, vector<1024x1024xf32>
    %reduce_min3A_237 = arith.constant dense<0x7F800000> : vector<1024xf32>
    %reduce_min3A_238 = vector.multi_reduction <minimumf>, %select_n3A_236, %reduce_min3A_237 [1] : vector<1024x1024xf32> to vector<1024xf32>
    %broadcast_in_dim3A_239 = vector.shape_cast %reduce_min3A_238 : vector<1024xf32> to vector<1024x1xf32>
    %convert_element_type3A_240 = arith.fptosi %broadcast_in_dim3A_239 : vector<1024x1xf32> to vector<1024x1xi32>
    %add3A_241 = arith.constant 4096 : i32
    %add3A_242 = vector.broadcast %add3A_241 : i32 to vector<1024x1xi32>
    %add3A_243 = arith.addi %convert_element_type3A_240, %add3A_242 : vector<1024x1xi32>
    %swap3A_244 = arith.constant 0 : index
    %swap3A_245 = arith.constant 4 : index
    %swap3A_246 = vector.load %arg3[%swap3A_244, %swap3A_245] : memref<1024x8xi32, #tpu.memory_space<vmem>>, vector<1024x1xi32>
    tpu.vector_store %arg3[%swap3A_244, %swap3A_245], %add3A_243 {strides = array<i32>} : memref<1024x8xi32, #tpu.memory_space<vmem>>, vector<1024x1xi32>,
    %reduce_sum3A_247 = vector.shape_cast %broadcast_in_dim3A_226 : vector<1024x1xf32> to vector<1x1024x1xf32>
    %reduce_sum3A_248 = arith.constant dense<0.000000e+00> : vector<1xf32>
    %reduce_sum3A_249 = vector.multi_reduction <add>, %reduce_sum3A_247, %reduce_sum3A_248 [1, 2] : vector<1x1024x1xf32> to vector<1xf32>
    %reduce_sum3A_250 = vector.shape_cast %reduce_sum3A_249 : vector<1xf32> to vector<1x1x1xf32>
    %reduce_sum3A_251 = vector.extract %reduce_sum3A_250[0, 0, 0] : f32 from vector<1x1x1xf32>
    %add3A_252 = arith.addf %add3A_200, %reduce_sum3A_251 : f32
    %get3A_253 = arith.constant 0 : index
    %get3A_254 = arith.constant 320 : index
    %get3A_255 = vector.load %arg1[%get3A_253, %get3A_254] : memref<1024x512xf32, #tpu.memory_space<vmem>>, vector<1024x64xf32>
    %get3A_256 = arith.constant 5 : index
    %get3A_257 = arith.constant 0 : index
    %get3A_258 = arith.constant 0 : index
    %get3A_259 = vector.load %arg7[%get3A_256, %get3A_257, %get3A_258] : memref<8x1024x64xf32, #tpu.memory_space<vmem>>, vector<1x1024x64xf32>
    %get3A_260 = vector.shape_cast %get3A_259 : vector<1x1024x64xf32> to vector<1024x64xf32>
    %dot_general3A_261 = arith.constant dense<0.000000e+00> : vector<1024x1024xf32>
    %dot_general3A_262 = tpu.matmul %get3A_255, %get3A_260, %dot_general3A_261 {dimension_numbers = #tpu.dot_dimension_numbers<[1], [1], [0], [0], [0, 0, 1, 0], [], []>, transpose_lhs_hint = false} : vector<1024x64xf32>, vector<1024x64xf32>, vector<1024x1024xf32> -> vector<1024x1024xf32>
    %mul3A_263 = arith.mulf %get3A_255, %get3A_255 : vector<1024x64xf32>
    %reduce_sum3A_264 = arith.constant dense<0.000000e+00> : vector<1024xf32>
    %reduce_sum3A_265 = vector.multi_reduction <add>, %mul3A_263, %reduce_sum3A_264 [1] : vector<1024x64xf32> to vector<1024xf32>
    %broadcast_in_dim3A_266 = vector.shape_cast %reduce_sum3A_265 : vector<1024xf32> to vector<1024x1xf32>
    %add3A_267 = vector.broadcast %broadcast_in_dim3A_266 : vector<1024x1xf32> to vector<1024x1024xf32>
    %add3A_268 = arith.addf %add3A_267, %dot_general3A_262 : vector<1024x1024xf32>
    %get3A_269 = arith.constant 5 : index
    %get3A_270 = arith.constant 0 : index
    %get3A_271 = arith.constant 0 : index
    %get3A_272 = vector.load %arg6[%get3A_269, %get3A_270, %get3A_271] : memref<8x1x1024xf32, #tpu.memory_space<vmem>>, vector<1x1x1024xf32>
    %get3A_273 = vector.shape_cast %get3A_272 : vector<1x1x1024xf32> to vector<1x1024xf32>
    %add3A_274 = vector.broadcast %get3A_273 : vector<1x1024xf32> to vector<1024x1024xf32>
    %add3A_275 = arith.addf %add3A_268, %add3A_274 : vector<1024x1024xf32>
    %reduce_min3A_276 = arith.constant dense<0x7F800000> : vector<1024xf32>
    %reduce_min3A_277 = vector.multi_reduction <minimumf>, %add3A_275, %reduce_min3A_276 [1] : vector<1024x1024xf32> to vector<1024xf32>
    %broadcast_in_dim3A_278 = vector.shape_cast %reduce_min3A_277 : vector<1024xf32> to vector<1024x1xf32>
    %get3A_279 = arith.constant 0 : index
    %get3A_280 = arith.constant 0 : index
    %get3A_281 = vector.load %arg8[%get3A_279, %get3A_280] : memref<8x1024xf32, #tpu.memory_space<vmem>>, vector<1x1024xf32>
    %eq3A_282 = vector.broadcast %broadcast_in_dim3A_278 : vector<1024x1xf32> to vector<1024x1024xf32>
    %eq3A_283 = arith.cmpf oeq, %add3A_275, %eq3A_282 : vector<1024x1024xf32>
    %jit3A_284 = arith.constant 1.024000e+03 : f32
    %broadcast_in_dim3A_285 = vector.shape_cast %get3A_281 : vector<1x1024xf32> to vector<1x1024xf32>
    %broadcast_in_dim3A_286 = vector.broadcast %broadcast_in_dim3A_285 : vector<1x1024xf32> to vector<1024x1024xf32>
    %broadcast_in_dim3A_287 = vector.broadcast %jit3A_284 : f32 to vector<1024x1024xf32>
    %select_n3A_288 = arith.select %eq3A_283, %broadcast_in_dim3A_286, %broadcast_in_dim3A_287 : vector<1024x1024xi1>, vector<1024x1024xf32>
    %reduce_min3A_289 = arith.constant dense<0x7F800000> : vector<1024xf32>
    %reduce_min3A_290 = vector.multi_reduction <minimumf>, %select_n3A_288, %reduce_min3A_289 [1] : vector<1024x1024xf32> to vector<1024xf32>
    %broadcast_in_dim3A_291 = vector.shape_cast %reduce_min3A_290 : vector<1024xf32> to vector<1024x1xf32>
    %convert_element_type3A_292 = arith.fptosi %broadcast_in_dim3A_291 : vector<1024x1xf32> to vector<1024x1xi32>
    %add3A_293 = arith.constant 5120 : i32
    %add3A_294 = vector.broadcast %add3A_293 : i32 to vector<1024x1xi32>
    %add3A_295 = arith.addi %convert_element_type3A_292, %add3A_294 : vector<1024x1xi32>
    %swap3A_296 = arith.constant 0 : index
    %swap3A_297 = arith.constant 5 : index
    %swap3A_298 = vector.load %arg3[%swap3A_296, %swap3A_297] : memref<1024x8xi32, #tpu.memory_space<vmem>>, vector<1024x1xi32>
    tpu.vector_store %arg3[%swap3A_296, %swap3A_297], %add3A_295 {strides = array<i32>} : memref<1024x8xi32, #tpu.memory_space<vmem>>, vector<1024x1xi32>,
    %reduce_sum3A_299 = vector.shape_cast %broadcast_in_dim3A_278 : vector<1024x1xf32> to vector<1x1024x1xf32>
    %reduce_sum3A_300 = arith.constant dense<0.000000e+00> : vector<1xf32>
    %reduce_sum3A_301 = vector.multi_reduction <add>, %reduce_sum3A_299, %reduce_sum3A_300 [1, 2] : vector<1x1024x1xf32> to vector<1xf32>
    %reduce_sum3A_302 = vector.shape_cast %reduce_sum3A_301 : vector<1xf32> to vector<1x1x1xf32>
    %reduce_sum3A_303 = vector.extract %reduce_sum3A_302[0, 0, 0] : f32 from vector<1x1x1xf32>
    %add3A_304 = arith.addf %add3A_252, %reduce_sum3A_303 : f32
    %get3A_305 = arith.constant 0 : index
    %get3A_306 = arith.constant 384 : index
    %get3A_307 = vector.load %arg1[%get3A_305, %get3A_306] : memref<1024x512xf32, #tpu.memory_space<vmem>>, vector<1024x64xf32>
    %get3A_308 = arith.constant 6 : index
    %get3A_309 = arith.constant 0 : index
    %get3A_310 = arith.constant 0 : index
    %get3A_311 = vector.load %arg7[%get3A_308, %get3A_309, %get3A_310] : memref<8x1024x64xf32, #tpu.memory_space<vmem>>, vector<1x1024x64xf32>
    %get3A_312 = vector.shape_cast %get3A_311 : vector<1x1024x64xf32> to vector<1024x64xf32>
    %dot_general3A_313 = arith.constant dense<0.000000e+00> : vector<1024x1024xf32>
    %dot_general3A_314 = tpu.matmul %get3A_307, %get3A_312, %dot_general3A_313 {dimension_numbers = #tpu.dot_dimension_numbers<[1], [1], [0], [0], [0, 0, 1, 0], [], []>, transpose_lhs_hint = false} : vector<1024x64xf32>, vector<1024x64xf32>, vector<1024x1024xf32> -> vector<1024x1024xf32>
    %mul3A_315 = arith.mulf %get3A_307, %get3A_307 : vector<1024x64xf32>
    %reduce_sum3A_316 = arith.constant dense<0.000000e+00> : vector<1024xf32>
    %reduce_sum3A_317 = vector.multi_reduction <add>, %mul3A_315, %reduce_sum3A_316 [1] : vector<1024x64xf32> to vector<1024xf32>
    %broadcast_in_dim3A_318 = vector.shape_cast %reduce_sum3A_317 : vector<1024xf32> to vector<1024x1xf32>
    %add3A_319 = vector.broadcast %broadcast_in_dim3A_318 : vector<1024x1xf32> to vector<1024x1024xf32>
    %add3A_320 = arith.addf %add3A_319, %dot_general3A_314 : vector<1024x1024xf32>
    %get3A_321 = arith.constant 6 : index
    %get3A_322 = arith.constant 0 : index
    %get3A_323 = arith.constant 0 : index
    %get3A_324 = vector.load %arg6[%get3A_321, %get3A_322, %get3A_323] : memref<8x1x1024xf32, #tpu.memory_space<vmem>>, vector<1x1x1024xf32>
    %get3A_325 = vector.shape_cast %get3A_324 : vector<1x1x1024xf32> to vector<1x1024xf32>
    %add3A_326 = vector.broadcast %get3A_325 : vector<1x1024xf32> to vector<1024x1024xf32>
    %add3A_327 = arith.addf %add3A_320, %add3A_326 : vector<1024x1024xf32>
    %reduce_min3A_328 = arith.constant dense<0x7F800000> : vector<1024xf32>
    %reduce_min3A_329 = vector.multi_reduction <minimumf>, %add3A_327, %reduce_min3A_328 [1] : vector<1024x1024xf32> to vector<1024xf32>
    %broadcast_in_dim3A_330 = vector.shape_cast %reduce_min3A_329 : vector<1024xf32> to vector<1024x1xf32>
    %get3A_331 = arith.constant 0 : index
    %get3A_332 = arith.constant 0 : index
    %get3A_333 = vector.load %arg8[%get3A_331, %get3A_332] : memref<8x1024xf32, #tpu.memory_space<vmem>>, vector<1x1024xf32>
    %eq3A_334 = vector.broadcast %broadcast_in_dim3A_330 : vector<1024x1xf32> to vector<1024x1024xf32>
    %eq3A_335 = arith.cmpf oeq, %add3A_327, %eq3A_334 : vector<1024x1024xf32>
    %jit3A_336 = arith.constant 1.024000e+03 : f32
    %broadcast_in_dim3A_337 = vector.shape_cast %get3A_333 : vector<1x1024xf32> to vector<1x1024xf32>
    %broadcast_in_dim3A_338 = vector.broadcast %broadcast_in_dim3A_337 : vector<1x1024xf32> to vector<1024x1024xf32>
    %broadcast_in_dim3A_339 = vector.broadcast %jit3A_336 : f32 to vector<1024x1024xf32>
    %select_n3A_340 = arith.select %eq3A_335, %broadcast_in_dim3A_338, %broadcast_in_dim3A_339 : vector<1024x1024xi1>, vector<1024x1024xf32>
    %reduce_min3A_341 = arith.constant dense<0x7F800000> : vector<1024xf32>
    %reduce_min3A_342 = vector.multi_reduction <minimumf>, %select_n3A_340, %reduce_min3A_341 [1] : vector<1024x1024xf32> to vector<1024xf32>
    %broadcast_in_dim3A_343 = vector.shape_cast %reduce_min3A_342 : vector<1024xf32> to vector<1024x1xf32>
    %convert_element_type3A_344 = arith.fptosi %broadcast_in_dim3A_343 : vector<1024x1xf32> to vector<1024x1xi32>
    %add3A_345 = arith.constant 6144 : i32
    %add3A_346 = vector.broadcast %add3A_345 : i32 to vector<1024x1xi32>
    %add3A_347 = arith.addi %convert_element_type3A_344, %add3A_346 : vector<1024x1xi32>
    %swap3A_348 = arith.constant 0 : index
    %swap3A_349 = arith.constant 6 : index
    %swap3A_350 = vector.load %arg3[%swap3A_348, %swap3A_349] : memref<1024x8xi32, #tpu.memory_space<vmem>>, vector<1024x1xi32>
    tpu.vector_store %arg3[%swap3A_348, %swap3A_349], %add3A_347 {strides = array<i32>} : memref<1024x8xi32, #tpu.memory_space<vmem>>, vector<1024x1xi32>,
    %reduce_sum3A_351 = vector.shape_cast %broadcast_in_dim3A_330 : vector<1024x1xf32> to vector<1x1024x1xf32>
    %reduce_sum3A_352 = arith.constant dense<0.000000e+00> : vector<1xf32>
    %reduce_sum3A_353 = vector.multi_reduction <add>, %reduce_sum3A_351, %reduce_sum3A_352 [1, 2] : vector<1x1024x1xf32> to vector<1xf32>
    %reduce_sum3A_354 = vector.shape_cast %reduce_sum3A_353 : vector<1xf32> to vector<1x1x1xf32>
    %reduce_sum3A_355 = vector.extract %reduce_sum3A_354[0, 0, 0] : f32 from vector<1x1x1xf32>
    %add3A_356 = arith.addf %add3A_304, %reduce_sum3A_355 : f32
    %get3A_357 = arith.constant 0 : index
    %get3A_358 = arith.constant 448 : index
    %get3A_359 = vector.load %arg1[%get3A_357, %get3A_358] : memref<1024x512xf32, #tpu.memory_space<vmem>>, vector<1024x64xf32>
    %get3A_360 = arith.constant 7 : index
    %get3A_361 = arith.constant 0 : index
    %get3A_362 = arith.constant 0 : index
    %get3A_363 = vector.load %arg7[%get3A_360, %get3A_361, %get3A_362] : memref<8x1024x64xf32, #tpu.memory_space<vmem>>, vector<1x1024x64xf32>
    %get3A_364 = vector.shape_cast %get3A_363 : vector<1x1024x64xf32> to vector<1024x64xf32>
    %dot_general3A_365 = arith.constant dense<0.000000e+00> : vector<1024x1024xf32>
    %dot_general3A_366 = tpu.matmul %get3A_359, %get3A_364, %dot_general3A_365 {dimension_numbers = #tpu.dot_dimension_numbers<[1], [1], [0], [0], [0, 0, 1, 0], [], []>, transpose_lhs_hint = false} : vector<1024x64xf32>, vector<1024x64xf32>, vector<1024x1024xf32> -> vector<1024x1024xf32>
    %mul3A_367 = arith.mulf %get3A_359, %get3A_359 : vector<1024x64xf32>
    %reduce_sum3A_368 = arith.constant dense<0.000000e+00> : vector<1024xf32>
    %reduce_sum3A_369 = vector.multi_reduction <add>, %mul3A_367, %reduce_sum3A_368 [1] : vector<1024x64xf32> to vector<1024xf32>
    %broadcast_in_dim3A_370 = vector.shape_cast %reduce_sum3A_369 : vector<1024xf32> to vector<1024x1xf32>
    %add3A_371 = vector.broadcast %broadcast_in_dim3A_370 : vector<1024x1xf32> to vector<1024x1024xf32>
    %add3A_372 = arith.addf %add3A_371, %dot_general3A_366 : vector<1024x1024xf32>
    %get3A_373 = arith.constant 7 : index
    %get3A_374 = arith.constant 0 : index
    %get3A_375 = arith.constant 0 : index
    %get3A_376 = vector.load %arg6[%get3A_373, %get3A_374, %get3A_375] : memref<8x1x1024xf32, #tpu.memory_space<vmem>>, vector<1x1x1024xf32>
    %get3A_377 = vector.shape_cast %get3A_376 : vector<1x1x1024xf32> to vector<1x1024xf32>
    %add3A_378 = vector.broadcast %get3A_377 : vector<1x1024xf32> to vector<1024x1024xf32>
    %add3A_379 = arith.addf %add3A_372, %add3A_378 : vector<1024x1024xf32>
    %reduce_min3A_380 = arith.constant dense<0x7F800000> : vector<1024xf32>
    %reduce_min3A_381 = vector.multi_reduction <minimumf>, %add3A_379, %reduce_min3A_380 [1] : vector<1024x1024xf32> to vector<1024xf32>
    %broadcast_in_dim3A_382 = vector.shape_cast %reduce_min3A_381 : vector<1024xf32> to vector<1024x1xf32>
    %get3A_383 = arith.constant 0 : index
    %get3A_384 = arith.constant 0 : index
    %get3A_385 = vector.load %arg8[%get3A_383, %get3A_384] : memref<8x1024xf32, #tpu.memory_space<vmem>>, vector<1x1024xf32>
    %eq3A_386 = vector.broadcast %broadcast_in_dim3A_382 : vector<1024x1xf32> to vector<1024x1024xf32>
    %eq3A_387 = arith.cmpf oeq, %add3A_379, %eq3A_386 : vector<1024x1024xf32>
    %jit3A_388 = arith.constant 1.024000e+03 : f32
    %broadcast_in_dim3A_389 = vector.shape_cast %get3A_385 : vector<1x1024xf32> to vector<1x1024xf32>
    %broadcast_in_dim3A_390 = vector.broadcast %broadcast_in_dim3A_389 : vector<1x1024xf32> to vector<1024x1024xf32>
    %broadcast_in_dim3A_391 = vector.broadcast %jit3A_388 : f32 to vector<1024x1024xf32>
    %select_n3A_392 = arith.select %eq3A_387, %broadcast_in_dim3A_390, %broadcast_in_dim3A_391 : vector<1024x1024xi1>, vector<1024x1024xf32>
    %reduce_min3A_393 = arith.constant dense<0x7F800000> : vector<1024xf32>
    %reduce_min3A_394 = vector.multi_reduction <minimumf>, %select_n3A_392, %reduce_min3A_393 [1] : vector<1024x1024xf32> to vector<1024xf32>
    %broadcast_in_dim3A_395 = vector.shape_cast %reduce_min3A_394 : vector<1024xf32> to vector<1024x1xf32>
    %convert_element_type3A_396 = arith.fptosi %broadcast_in_dim3A_395 : vector<1024x1xf32> to vector<1024x1xi32>
    %add3A_397 = arith.constant 7168 : i32
    %add3A_398 = vector.broadcast %add3A_397 : i32 to vector<1024x1xi32>
    %add3A_399 = arith.addi %convert_element_type3A_396, %add3A_398 : vector<1024x1xi32>
    %swap3A_400 = arith.constant 0 : index
    %swap3A_401 = arith.constant 7 : index
    %swap3A_402 = vector.load %arg3[%swap3A_400, %swap3A_401] : memref<1024x8xi32, #tpu.memory_space<vmem>>, vector<1024x1xi32>
    tpu.vector_store %arg3[%swap3A_400, %swap3A_401], %add3A_399 {strides = array<i32>} : memref<1024x8xi32, #tpu.memory_space<vmem>>, vector<1024x1xi32>,
    %reduce_sum3A_403 = vector.shape_cast %broadcast_in_dim3A_382 : vector<1024x1xf32> to vector<1x1024x1xf32>
    %reduce_sum3A_404 = arith.constant dense<0.000000e+00> : vector<1xf32>
    %reduce_sum3A_405 = vector.multi_reduction <add>, %reduce_sum3A_403, %reduce_sum3A_404 [1, 2] : vector<1x1024x1xf32> to vector<1xf32>
    %reduce_sum3A_406 = vector.shape_cast %reduce_sum3A_405 : vector<1xf32> to vector<1x1x1xf32>
    %reduce_sum3A_407 = vector.extract %reduce_sum3A_406[0, 0, 0] : f32 from vector<1x1x1xf32>
    %add3A_408 = arith.addf %add3A_356, %reduce_sum3A_407 : f32
    %reshape3A = vector.broadcast %add3A_408 : f32 to vector<1x1x1xf32>
    %swap3A_409 = arith.constant 0 : index
    %swap3A_410 = arith.constant 0 : index
    %swap3A_411 = arith.constant 0 : index
    %swap3A_412 = vector.load %arg4[%swap3A_409, %swap3A_410, %swap3A_411] : memref<1x1x1xf32, #tpu.memory_space<vmem>>, vector<1x1x1xf32>
    tpu.vector_store %arg4[%swap3A_409, %swap3A_410, %swap3A_411], %reshape3A {strides = array<i32>} : memref<1x1x1xf32, #tpu.memory_space<vmem>>, vector<1x1x1xf32>,
    return
  }
  func.func @transform_0(%arg0: i32) -> (i32, i32) {
    %c0_i32 = arith.constant 0 : i32
    %c0_i32_0 = arith.constant 0 : i32
    return %arg0, %c0_i32 : i32, i32
  }
  func.func @transform_1(%arg0: i32) -> (i32, i32, i32) {
    %c0_i32 = arith.constant 0 : i32
    %c0_i32_0 = arith.constant 0 : i32
    %c0_i32_1 = arith.constant 0 : i32
    %c0_i32_2 = arith.constant 0 : i32
    return %c0_i32, %c0_i32_0, %c0_i32_1 : i32, i32, i32
  }
  func.func @transform_2(%arg0: i32) -> (i32, i32) {
    %c0_i32 = arith.constant 0 : i32
    %c0_i32_0 = arith.constant 0 : i32
    return %arg0, %c0_i32 : i32, i32
  }
  func.func @transform_3(%arg0: i32) -> (i32, i32, i32) {
    %c0_i32 = arith.constant 0 : i32
    %c0_i32_0 = arith.constant 0 : i32
    %c0_i32_1 = arith.constant 0 : i32
    return %arg0, %c0_i32, %c0_i32_0 : i32, i32, i32
  }
  func.func @transform_4(%arg0: i32) -> (i32, i32) {
    %c0_i32 = arith.constant 0 : i32
    %c0_i32_0 = arith.constant 0 : i32
    %c0_i32_1 = arith.constant 0 : i32
    return %c0_i32, %c0_i32_0 : i32, i32
  }
}

module attributes {stable_mosaic.version = 14 : i64} {
  func.func @_compact_body(%arg0: i32, %arg1: memref<4096x128xf32, #tpu.memory_space<vmem>>, %arg2: memref<512x512xf32, #tpu.memory_space<vmem>>) attributes {dimension_semantics = [#tpu.dimension_semantics<arbitrary>], iteration_bounds = array<i64: 18>, scalar_prefetch = 0 : i64, scratch_operands = 0 : i64, tpu.core_type = #tpu.core_type<tc>, window_params = [{transform_indices = @transform_0, window_bounds = array<i64: 4096, 128>}, {transform_indices = @transform_1, window_bounds = array<i64: 512, 512>}]} {
    %get3A = arith.constant 0 : index
    %get3A_0 = arith.constant 0 : index
    %get3A_1 = vector.load %arg1[%get3A, %get3A_0] : memref<4096x128xf32, #tpu.memory_space<vmem>>, vector<4096x128xf32>
    %reshape3A = vector.shape_cast %get3A_1 : vector<4096x128xf32> to vector<512x8x128xf32>
    %slice3A = vector.extract_strided_slice %reshape3A {offsets = [0, 0, 0], sizes = [512, 8, 64], strides = [1, 1, 1]} : vector<512x8x128xf32> to vector<512x8x64xf32>
    %reshape3A_2 = vector.shape_cast %slice3A : vector<512x8x64xf32> to vector<512x512xf32>
    %swap3A = arith.constant 0 : index
    %swap3A_3 = arith.constant 0 : index
    %swap3A_4 = vector.load %arg2[%swap3A, %swap3A_3] : memref<512x512xf32, #tpu.memory_space<vmem>>, vector<512x512xf32>
    tpu.vector_store %arg2[%swap3A, %swap3A_3], %reshape3A_2 {strides = array<i32>} : memref<512x512xf32, #tpu.memory_space<vmem>>, vector<512x512xf32>,
    return
  }
  func.func @transform_0(%arg0: i32) -> (i32, i32) {
    %c0_i32 = arith.constant 0 : i32
    %c0_i32_0 = arith.constant 0 : i32
    return %arg0, %c0_i32 : i32, i32
  }
  func.func @transform_1(%arg0: i32) -> (i32, i32) {
    %c0_i32 = arith.constant 0 : i32
    %c0_i32_0 = arith.constant 0 : i32
    return %arg0, %c0_i32 : i32, i32
  }
}

</mosaic_0001>

<sc_bundles>
// kernel: kernel.5.cloned.1.call-start
scs
__scs_entry_jumppad:
0x0: {  	(pc) =	sbr.rel $0x88, $3  }
0x1: {  	(tag) =	ssettag $0x0;
	lr =	simm.s32 $0x1  }
0x2: {  	[smem:$0x3F9F] =	sst lr;
	_ =	strace $0xD0000000  }
0x3: {  	_ = 	snop  }
0x4: {  	_ = 	snop  }
0x5: {  	_ = 	snop  }
0x6: {  	_ = 	snop  }
0x7: {  	_ = 	snop  }
__scs_overlays_trampoline_lowered:
0x8: {  	[smem:$0x3FAE] =	sst s0  }
0x9: {  	[smem:$0x3FAF] =	sst s1  }
0xa: {  	[smem:$0x3FB0] =	sst s2  }
0xb: {  	[smem:$0x3FB1] =	sst s3  }
0xc: {  	[smem:$0x3FB2] =	sst s4  }
0xd: {  	[smem:$0x3FB3] =	sst s5  }
0xe: {  	[smem:$0x3FB4] =	sst s6  }
0xf: {  	[smem:$0x3FB5] =	sst s7  }
0x10: {  	[smem:$0x3FB6] =	sst s8  }
0x11: {  	[smem:$0x3FB7] =	sst s9;
	s0 =	simm.s32 @!p0 $0x0  }
0x12: {  	s1 =	sld [smem:$0x3F9D];
	s0 =	simm.s32 @p0 $0x1  }
0x13: {  	[smem:$0x3FB8] =	sst s0;
	s0 =	simm.s32 @!p1 $0x0  }
0x14: {  	s2 =	sld [smem:$0x3F9C];
	s0 =	simm.s32 @p1 $0x1  }
0x15: {  	[smem:$0x3FB9] =	sst s0;
	s0 =	simm.s32 @!p2 $0x0  }
0x16: {  	s3 =	sld [smem:$0x3FDB];
	s0 =	simm.s32 @p2 $0x1  }
0x17: {  	s4 =	simm.s32 $0x1BF5;
	[smem:$0x3FBB] =	sst s0  }
0x18: {  	s0 =	sld [smem:$0x3F9E];
	_ =	swait.ge [sflag:s4], $0x0  }
0x19: {  	s7 =	sld [smem:$0x3F9F]  }
0x1a: {  	s8 =	sadd.s32 $0xFFFFE003, lr  }
0x1b: {  	s9 =	sadd.s32 $0xFFFFFEF7, lr;
	s5 =	simm.s32 $0xFFFFFFFF;
	p2 =	slt.u32 s8, $0xFFFFF086  }
0x1c: {  	p1 =	slt.u32 s9, $0xF7A;
	s5 =	simm.s32 @!p2 $0x0  }
0x1d: {  	s5 =	simm.s32 @p1 $0x1;
	p0 =	seq.s32 s7, s2  }
0x1e: {  	s7 =	smul.u32 @!p0 $0xF7A, s2;
	p2 =	seq.s32 @!p0 s5, $0x0  }
0x1f: {  	s9 =	smul.u32 $0xF7A, s1;
	s8 =	simm.s32 @!p0 $0x1BF5;
	p2 =	por !p2, p0  }
0x20: {  	[sflag:s8] =	ssyncset.s32 @!p0 $0xFFFFF086;
	s6 =	sadd.s32 @!p0 s3, s7;
	s7 =	simm.s32 @!p0 $0x108  }
0x21: {  	s3 =	sadd.s32 s3, s9;
	s6 =	sadd.s32 @!p0 $0x88, s6;
	s7 =	simm.s32 @p2 $0x1082  }
0x22: {  	[simem:s7], [sflag:s8] =	dma.local @!p0 [hbm:s6], $0xF7A  }
0x23: {  	s9 =	sor.u32 $0xD0000000, s2;
	s6 =	simm.s32 $0x108;
	_ =	swait.ge @!p0 [sflag:s8], $0x0  }
0x24: {  	s3 =	sadd.s32 $0x88, s3;
	s6 =	simm.s32 @!p1 $0x1082;
	[sflag:s4] =	ssyncset.s32 $0xFFFFF086  }
0x25: {  	[simem:s6], [sflag:s4] =	dma.local [hbm:s3], $0xF7A  }
0x26: {  	[smem:$0x3F9F] =	sst s1;
	(tag) =	ssettag s2;
	_ =	strace s9  }
0x27: {  	s1 =	sld [smem:$0x3FAF]  }
0x28: {  	s2 =	sld [smem:$0x3FB0]  }
0x29: {  	s4 =	sld [smem:$0x3FB2]  }
0x2a: {  	p0 =	seq.s32 s5, $0x0;
	s5 =	sld [smem:$0x3FB3]  }
0x2b: {  	s6 =	sld [smem:$0x3FB4]  }
0x2c: {  	s7 =	sld [smem:$0x3FB5]  }
0x2d: {  	s3 =	simm.s32 $0x108;
	s8 =	sld [smem:$0x3FB6]  }
0x2e: {  	s3 =	simm.s32 @!p0 $0x1082;
	s9 =	sld [smem:$0x3FB7]  }
0x2f: {  	lr =	sadd.s32 s0, s3;
	s0 =	sld [smem:$0x3FAE]  }
0x30: {  	s3 =	sld [smem:$0x3FB1]  }
0x31: {  	[smem:$0x3FBA] =	sst s10  }
0x32: {  	s10 =	sld [smem:$0x3FB8];
	_ =	sdelay $0x3  }
0x33: {  	p0 =	seq.s32 s10, $0x1;
	s10 =	sld [smem:$0x3FBA];
	_ =	sdelay $0x3  }
0x34: {  	[smem:$0x3FBA] =	sst s10  }
0x35: {  	s10 =	sld [smem:$0x3FB9];
	_ =	sdelay $0x3  }
0x36: {  	p1 =	seq.s32 s10, $0x1;
	s10 =	sld [smem:$0x3FBA];
	_ =	sdelay $0x3  }
0x37: {  	[smem:$0x3FBA] =	sst s10  }
0x38: {  	s10 =	sld [smem:$0x3FBB]  }
0x39: {  	_ = 	snop;
	(pc) =	sbr.ind lr, $3  }
0x3a: {  	_ = 	snop  }
0x3b: {  	_ = 	snop  }
0x3c: {  	p2 =	seq.s32 s10, $0x1;
	s10 =	sld [smem:$0x3FBA]  }
0x3d: {  	_ =	shalt  }
0x3e: {  	_ =	shalt  }
0x3f: {  	_ =	shalt  }
0x40: {  	_ =	shalt  }
0x41: {  	_ =	shalt  }
0x42: {  	_ =	shalt  }
0x43: {  	_ =	shalt  }
0x44: {  	_ =	shalt  }
0x45: {  	_ =	shalt  }
0x46: {  	_ =	shalt  }
0x47: {  	_ =	shalt  }
0x48: {  	_ =	shalt  }
0x49: {  	_ =	shalt  }
0x4a: {  	_ =	shalt  }
0x4b: {  	_ =	shalt  }
0x4c: {  	_ =	shalt  }
0x4d: {  	_ =	shalt  }
0x4e: {  	_ =	shalt  }
0x4f: {  	_ =	shalt  }
0x50: {  	_ =	shalt  }
0x51: {  	_ =	shalt  }
0x52: {  	_ =	shalt  }
0x53: {  	_ =	shalt  }
0x54: {  	_ =	shalt  }
0x55: {  	_ =	shalt  }
0x56: {  	_ =	shalt  }
0x57: {  	_ =	shalt  }
0x58: {  	_ =	shalt  }
0x59: {  	_ =	shalt  }
0x5a: {  	_ =	shalt  }
0x5b: {  	_ =	shalt  }
0x5c: {  	_ =	shalt  }
0x5d: {  	_ =	shalt  }
0x5e: {  	_ =	shalt  }
0x5f: {  	_ =	shalt  }
0x60: {  	_ =	shalt  }
0x61: {  	_ =	shalt  }
0x62: {  	_ =	shalt  }
0x63: {  	_ =	shalt  }
0x64: {  	_ =	shalt  }
0x65: {  	_ =	shalt  }
0x66: {  	_ =	shalt  }
0x67: {  	_ =	shalt  }
0x68: {  	_ =	shalt  }
0x69: {  	_ =	shalt  }
0x6a: {  	_ =	shalt  }
0x6b: {  	_ =	shalt  }
0x6c: {  	_ =	shalt  }
0x6d: {  	_ =	shalt  }
0x6e: {  	_ =	shalt  }
0x6f: {  	_ =	shalt  }
0x70: {  	_ =	shalt  }
0x71: {  	_ =	shalt  }
0x72: {  	_ =	shalt  }
0x73: {  	_ =	shalt  }
0x74: {  	_ =	shalt  }
0x75: {  	_ =	shalt  }
0x76: {  	_ =	shalt  }
0x77: {  	_ =	shalt  }
0x78: {  	_ =	shalt  }
0x79: {  	_ =	shalt  }
0x7a: {  	_ =	shalt  }
0x7b: {  	_ =	shalt  }
0x7c: {  	_ =	shalt  }
0x7d: {  	_ =	shalt  }
0x7e: {  	_ =	shalt  }
0x7f: {  	_ =	shalt  }
0x80: {  	_ =	shalt  }
0x81: {  	_ =	shalt  }
0x82: {  	_ =	shalt  }
0x83: {  	_ =	shalt  }
0x84: {  	_ =	shalt  }
0x85: {  	_ =	shalt  }
0x86: {  	_ =	shalt  }
0x87: {  	_ =	shalt  }
.Lfunc_end0:
.L_simem_size_0:
called_computation_lowered:
.L_overlay_start_0:
0x88: {  	s2 =	sld [smem:$0x3FD9]  }
0x89: {  	s3 =	sld [smem:$0x3FFE];
	_ =	sdelay $0x1  }
0x8a: {  	s1 =	srdreg.scid  }
0x8b: {  	s0 =	sand.u32 $0x1, s1  }
0x8c: {  	s14 =	sshll.u32 s0, $0xA;
	s2 =	sadd.s32 s3, s2  }
0x8d: {  	s2 =	sadd.s32 s2, s14  }
0x8e: {  	[smem:$0x3FC6] =	sst s2  }
0x8f: {  	_ = 	snop  }
0x90: {  	s2 =	sld [smem:$0x3FD0];
	_ =	sdelay $0x2  }
0x91: {  	s15 =	simm.s32 $0xA;
	s4 =	simm.s32 $0x10  }
0x92: {  	[smem:s4], [sflag:s15] =	dma.local [hbm:s2], $0x1  }
0x93: {  	_ =	swait.eq [sflag:s15], $0x1  }
0x94: {  	[sflag:s15] =	ssyncset.done $0x0  }
0x95: {  	[sflag:s15] =	ssyncadd.s32 $0xFFFFFFFF  }
0x96: {  	s16 =	sld [smem:$0x10];
	(tm) =	ssettm $0x1  }
0x97: {  	s17 =	sld [smem:$0x3FFB];
	_ =	sdelay $0x3  }
0x98: {  	_ =	strace s17  }
0x99: {  	s3 =	sld [smem:$0x3FFC];
	_ =	sdelay $0x3  }
0x9a: {  	_ =	strace s3  }
0x9b: {  	s3 =	sld [smem:$0x3FFD];
	_ =	sdelay $0x3  }
0x9c: {  	_ =	strace s3  }
0x9d: {  	_ =	strace $0x8FFFFFFF  }
0x9e: {  	s18 =	sld [smem:$0x3FDB];
	_ =	sdelay $0x1  }
0x9f: {  	s19 =	simm.s32 $_scs_section_size  }
0xa0: {  	s5 =	simm.s32 $_size__tile_overlayer_lowered;
	s6 =	simm.s32 $_tile_overlayer_lowered  }
0xa1: {  	s22 =	simm.s32 $0x1BFF;
	s21 =	sshll.u32 s6, $0x1;
	s3 =	sadd.s32 s19, s18  }
0xa2: {  	s7 =	simm.s32 $0x0;
	s20 =	sshll.u32 s5, $0x1;
	s5 =	sadd.s32 s21, s3  }
0xa3: {  	[timem:s7], [sflag:s22] =	dma.local [hbm:s5], s20  }
0xa4: {  	_ =	swait.ge [sflag:s22], s20  }
0xa5: {  	s4 =	ssub.s32 $0x0, s20;
	[sflag:s22] =	ssyncset.done $0x0  }
0xa6: {  	[sflag:s22] =	ssyncadd.s32 s4;
	_ =	sdelay $0x1  }
0xa7: {  	s23 =	simm.s32 $0x1B8B  }
0xa8: {  	_ =	swait.ge [sflag:s23], $0x1  }
0xa9: {  	[sflag:s23] =	ssyncset.done $0x0  }
0xaa: {  	s25 =	simm.s32 $0x1B8E;
	s24 =	sld [smem:$0x3FFE];
	[sflag:s23] =	ssyncadd.s32 $0xFFFFFFFF  }
0xab: {  	s26 =	simm.s32 $execute0_lowered;
	[smem:$0x3FD2] =	sst s25  }
0xac: {  	s5 =	sshll.u32 s26, $0x1;
	_ =	strace $0x80000046;
	[dreg:$0x1] =	wrdreg $0xFFFFFFFF  }
0xad: {  	s28 =	simm.s32 $_size_execute0_lowered;
	s3 =	sadd.s32 s3, s5;
	[dreg:$0x0] =	wrdreg $0x0  }
0xae: {  	s5 =	sshll.u32 s28, $0x1;
	[dreg:$0x2] =	wrdreg s3  }
0xaf: {  	[dreg:$0x3] =	wrdreg s5  }
0xb0: {  	[dreg:$0x4] =	wrdreg $0xC0  }
0xb1: {  	_ =	task [dreg:s7], $0x5FFFF  }
0xb2: {  	[dreg:$0x1] =	wrdreg $0xFFFFFFFF  }
0xb3: {  	[dreg:$0x0] =	wrdreg $0x60  }
0xb4: {  	[dreg:$0x2] =	wrdreg s16  }
0xb5: {  	[dreg:$0x3] =	wrdreg s24  }
0xb6: {  	[dreg:$0x4] =	wrdreg $0x9  }
0xb7: {  	_ =	task.clear_ibuf [dreg:s7], $0x5FFFF;
	_ =	strace $0x90000046  }
0xb8: {  	s29 =	simm.s32 $0x9;
	_ =	strace $0x80000048  }
0xb9: {  	_ =	swait.ge [sflag:s29], $0x1  }
0xba: {  	[sflag:s29] =	ssyncadd.s32 $0xFFFFFFFF  }
0xbb: {  	_ =	strace $0x90000048  }
0xbc: {  	_ =	sfence  }
0xbd: {  	s30 =	sld [smem:$0x0];
	_ =	sdelay $0x2  }
0xbe: {  	s31 =	sshll.u32 s1, $0xD;
	s1 =	sshrl.u32 s1, $0x2  }
0xbf: {  	s3 =	sand.u32 $0x4000, s31;
	s1 =	sadd.s32 s1, s30  }
0xc0: {  	s0 =	sor.u32 s3, s0;
	s1 =	sshll.u32 s1, $0x11  }
0xc1: {  	s0 =	sor.u32 s1, s0  }
0xc2: {  	s0 =	sadd.s32 $0x8F2B, s0  }
0xc3: {  	[sflag:s0] =	ssyncadd.remote.s32 $0x1  }
0xc4: {  	_ =	sfence.sel $0xFFFF  }
0xc5: {  	[dreg:$0x0] =	wrdreg $0xFFFFFFFF;
	(pc) =	sbr.abs _section_cstart, $3  }
0xc6: {  	[dreg:$0x1] =	wrdreg $0xFFFFFFFF  }
0xc7: {  	_ =	task.clear_ibuf [dreg:s7], $0x2FFFF;
	_ =	strace $0x9FFFFFFF  }
0xc8: {  	(tm) =	ssettm $0x7FFFFFFF  }
0xc9: {  	_ =	shalt  }
tec
execute0_lowered:
.L_overlay_start_1:
0x0: {  	(tag) =	ssettag $0x1  }
0x1: {  	s1 =	srdreg.scid;
	s0 =	stileid.u32  }
0x2: {  	s15 =	sand.u32 $0x1, s1;
	s28 =	sshll.u32 s0, $0x1  }
0x3: {  	s2 =	rddreg [dreg:$0x0];
	s9 =	sor.u32 s15, s28  }
0x4: {  	s10 =	rddreg [dreg:$0x1];
	s14 =	smul.u32 $0x900, s9  }
0x5: {  	s3 =	simm.s32 $0x0;
	s1 =	rddreg [dreg:$0x2]  }
0x6: {  	[smem:$0x7FF] =	sst s3;
	s16 =	sadd.s32 $0x400, s10;
	s4 =	sshrl.u32 s14, $0x3  }
0x7: {  	_ =	strace $0x80000047;
	s5 =	sadd.s32 s16, s4;
	s4 =	simm.s32 $0x2  }
0x8: {  	[tilespmem:s3], [sflag:$0x2] =	stream.linear.gather [hbm4b:s5+s3], $0x240, $0x38;
	[tilespmem:$0x12280] =	vst v63  }
0x9: {  	_ =	swait.ge [sflag:s4], $0x240  }
0xa: {  	s6 =	simm.s32 $0x240;
	[sflag:s4] =	ssyncset.done $0x0  }
0xb: {  	s7 =	simm.s32 $0x280;
	s8 =	simm.s32 $0x1;
	[sflag:s4] =	ssyncadd.s32 $0xFFFFFDC0  }
0xc: {  	[tilespmem:s7], [sflag:$0x1] =	stream.indirect.gather [hbm4b:s2+s6], $0x80, s3, s6, $0xb8;
	[tilespmem:$0x12280] =	vst v63  }
0xd: {  	s9 =	smul.u32 $0x9000, s9;
	_ =	swait.ge [sflag:s8], $0x12000  }
0xe: {  	s17 =	sadd.s32 $0x2800, s10;
	[sflag:s8] =	ssyncset.done $0x0  }
0xf: {  	s9 =	sadd.s32 s17, s9;
	[sflag:s8] =	ssyncadd.s32 $0xFFFEE000  }
0x10: {  	[hbm4b:s9+s3] =	stream.linear.scatter [tilespmem:s7], [sflag:$0x2], $0x12000, $0x38;
	[tilespmem:$0x12280] =	vst v63  }
0x11: {  	s11 =	sadd.s32 $0x240, s14;
	_ =	swait.ge [sflag:s4], $0x12000  }
0x12: {  	s29 =	sshrl.u32 s11, $0x3;
	[sflag:s4] =	ssyncset.done $0x0  }
0x13: {  	s10 =	sadd.s32 s16, s29;
	[sflag:s4] =	ssyncadd.s32 $0xFFFEE000  }
0x14: {  	[tilespmem:s3], [sflag:$0x2] =	stream.linear.gather [hbm4b:s10+s3], $0x240, $0x38;
	[tilespmem:$0x12280] =	vst v63  }
0x15: {  	_ =	swait.ge [sflag:s4], $0x240  }
0x16: {  	[sflag:s4] =	ssyncset.done $0x0  }
0x17: {  	[sflag:s4] =	ssyncadd.s32 $0xFFFFFDC0  }
0x18: {  	[tilespmem:s7], [sflag:$0x1] =	stream.indirect.gather [hbm4b:s2+s6], $0x80, s3, s6, $0xb8;
	[tilespmem:$0x12280] =	vst v63  }
0x19: {  	_ =	swait.ge [sflag:s8], $0x12000  }
0x1a: {  	s11 =	sshll.u32 s11, $0x4;
	[sflag:s8] =	ssyncset.done $0x0  }
0x1b: {  	s11 =	sadd.s32 s17, s11;
	[sflag:s8] =	ssyncadd.s32 $0xFFFEE000  }
0x1c: {  	[hbm4b:s11+s3] =	stream.linear.scatter [tilespmem:s7], [sflag:$0x2], $0x12000, $0x38;
	[tilespmem:$0x12280] =	vst v63  }
0x1d: {  	s13 =	sadd.s32 $0x480, s14;
	_ =	swait.ge [sflag:s4], $0x12000  }
0x1e: {  	s12 =	sshrl.u32 s13, $0x3;
	[sflag:s4] =	ssyncset.done $0x0  }
0x1f: {  	s12 =	sadd.s32 s16, s12;
	[sflag:s4] =	ssyncadd.s32 $0xFFFEE000  }
0x20: {  	[tilespmem:s3], [sflag:$0x2] =	stream.linear.gather [hbm4b:s12+s3], $0x240, $0x38;
	[tilespmem:$0x12280] =	vst v63  }
0x21: {  	_ =	swait.ge [sflag:s4], $0x240  }
0x22: {  	[sflag:s4] =	ssyncset.done $0x0  }
0x23: {  	[sflag:s4] =	ssyncadd.s32 $0xFFFFFDC0  }
0x24: {  	[tilespmem:s7], [sflag:$0x1] =	stream.indirect.gather [hbm4b:s2+s6], $0x80, s3, s6, $0xb8;
	[tilespmem:$0x12280] =	vst v63  }
0x25: {  	_ =	swait.ge [sflag:s8], $0x12000  }
0x26: {  	s13 =	sshll.u32 s13, $0x4;
	[sflag:s8] =	ssyncset.done $0x0  }
0x27: {  	s13 =	sadd.s32 s17, s13;
	[sflag:s8] =	ssyncadd.s32 $0xFFFEE000  }
0x28: {  	[hbm4b:s13+s3] =	stream.linear.scatter [tilespmem:s7], [sflag:$0x2], $0x12000, $0x38;
	[tilespmem:$0x12280] =	vst v63  }
0x29: {  	s18 =	sadd.s32 $0x6C0, s14;
	_ =	swait.ge [sflag:s4], $0x12000  }
0x2a: {  	s14 =	sshrl.u32 s18, $0x3;
	[sflag:s4] =	ssyncset.done $0x0  }
0x2b: {  	s15 =	ssub.s32 $0x2, s15;
	s14 =	sadd.s32 s16, s14;
	[sflag:s4] =	ssyncadd.s32 $0xFFFEE000  }
0x2c: {  	[tilespmem:s3], [sflag:$0x2] =	stream.linear.gather [hbm4b:s14+s3], $0x240, $0x38;
	[tilespmem:$0x12280] =	vst v63  }
0x2d: {  	s30 =	sshrl.u32 s15, $0x1;
	_ =	swait.ge [sflag:s4], $0x240  }
0x2e: {  	s16 =	ssub.s32 s15, s30;
	[sflag:s4] =	ssyncset.done $0x0  }
0x2f: {  	s16 =	smax.u32 s16, $0x1;
	[sflag:s4] =	ssyncadd.s32 $0xFFFFFDC0  }
0x30: {  	[tilespmem:s7], [sflag:$0x1] =	stream.indirect.gather [hbm4b:s2+s6], $0x80, s3, s6, $0xb8;
	[tilespmem:$0x12280] =	vst v63  }
0x31: {  	p0 =	sne.s32 s16, $0x1;
	_ =	swait.ge [sflag:s8], $0x12000  }
.Ltmp0:
0x32: {  	s31 =	sshll.u32 s18, $0x4;
	[sflag:s8] =	ssyncset.done $0x0;
	(pc) =	sbr.rel @!p0 .LBB2_2-.Ltmp0, $4  }
0x33: {  	s15 =	sadd.s32 s17, s31;
	[sflag:s8] =	ssyncadd.s32 $0xFFFEE000  }
0x34: {  	[hbm4b:s15+s3] =	stream.linear.scatter [tilespmem:s7], [sflag:$0x2], $0x12000, $0x38;
	[tilespmem:$0x12280] =	vst v63  }
0x35: {  	_ =	swait.ge [sflag:s4], $0x12000  }
0x36: {  	s16 =	sadd.s32 $0xFFFFFFFF, s16;
	[sflag:s4] =	ssyncset.done $0x0  }
.LBB2_1:
0x37: {  	p0 =	sne.s32 s16, $0x1;
	s16 =	sadd.s32 $0xFFFFFFFF, s16;
	[sflag:s4] =	ssyncadd.s32 $0xFFFEE000  }
0x38: {  	[tilespmem:s3], [sflag:$0x2] =	stream.linear.gather [hbm4b:s5+s3], $0x240, $0x38;
	[tilespmem:$0x12280] =	vst v63  }
0x39: {  	_ =	swait.ge [sflag:s4], $0x240  }
0x3a: {  	[sflag:s4] =	ssyncset.done $0x0  }
0x3b: {  	[sflag:s4] =	ssyncadd.s32 $0xFFFFFDC0  }
0x3c: {  	[tilespmem:s7], [sflag:$0x1] =	stream.indirect.gather [hbm4b:s2+s6], $0x80, s3, s6, $0xb8;
	[tilespmem:$0x12280] =	vst v63  }
0x3d: {  	_ =	swait.ge [sflag:s8], $0x12000  }
0x3e: {  	[sflag:s8] =	ssyncset.done $0x0  }
0x3f: {  	[sflag:s8] =	ssyncadd.s32 $0xFFFEE000  }
0x40: {  	[hbm4b:s9+s3] =	stream.linear.scatter [tilespmem:s7], [sflag:$0x2], $0x12000, $0x38;
	[tilespmem:$0x12280] =	vst v63  }
0x41: {  	_ =	swait.ge [sflag:s4], $0x12000  }
0x42: {  	[sflag:s4] =	ssyncset.done $0x0  }
0x43: {  	[sflag:s4] =	ssyncadd.s32 $0xFFFEE000  }
0x44: {  	[tilespmem:s3], [sflag:$0x2] =	stream.linear.gather [hbm4b:s10+s3], $0x240, $0x38;
	[tilespmem:$0x12280] =	vst v63  }
0x45: {  	_ =	swait.ge [sflag:s4], $0x240  }
0x46: {  	[sflag:s4] =	ssyncset.done $0x0  }
0x47: {  	[sflag:s4] =	ssyncadd.s32 $0xFFFFFDC0  }
0x48: {  	[tilespmem:s7], [sflag:$0x1] =	stream.indirect.gather [hbm4b:s2+s6], $0x80, s3, s6, $0xb8;
	[tilespmem:$0x12280] =	vst v63  }
0x49: {  	_ =	swait.ge [sflag:s8], $0x12000  }
0x4a: {  	[sflag:s8] =	ssyncset.done $0x0  }
0x4b: {  	[sflag:s8] =	ssyncadd.s32 $0xFFFEE000  }
0x4c: {  	[hbm4b:s11+s3] =	stream.linear.scatter [tilespmem:s7], [sflag:$0x2], $0x12000, $0x38;
	[tilespmem:$0x12280] =	vst v63  }
0x4d: {  	_ =	swait.ge [sflag:s4], $0x12000  }
0x4e: {  	[sflag:s4] =	ssyncset.done $0x0  }
0x4f: {  	[sflag:s4] =	ssyncadd.s32 $0xFFFEE000  }
0x50: {  	[tilespmem:s3], [sflag:$0x2] =	stream.linear.gather [hbm4b:s12+s3], $0x240, $0x38;
	[tilespmem:$0x12280] =	vst v63  }
0x51: {  	_ =	swait.ge [sflag:s4], $0x240  }
0x52: {  	[sflag:s4] =	ssyncset.done $0x0  }
0x53: {  	[sflag:s4] =	ssyncadd.s32 $0xFFFFFDC0  }
0x54: {  	[tilespmem:s7], [sflag:$0x1] =	stream.indirect.gather [hbm4b:s2+s6], $0x80, s3, s6, $0xb8;
	[tilespmem:$0x12280] =	vst v63  }
0x55: {  	_ =	swait.ge [sflag:s8], $0x12000  }
0x56: {  	[sflag:s8] =	ssyncset.done $0x0  }
0x57: {  	[sflag:s8] =	ssyncadd.s32 $0xFFFEE000  }
0x58: {  	[hbm4b:s13+s3] =	stream.linear.scatter [tilespmem:s7], [sflag:$0x2], $0x12000, $0x38;
	[tilespmem:$0x12280] =	vst v63  }
0x59: {  	_ =	swait.ge [sflag:s4], $0x12000  }
0x5a: {  	[sflag:s4] =	ssyncset.done $0x0  }
0x5b: {  	[sflag:s4] =	ssyncadd.s32 $0xFFFEE000  }
0x5c: {  	[tilespmem:s3], [sflag:$0x2] =	stream.linear.gather [hbm4b:s14+s3], $0x240, $0x38;
	[tilespmem:$0x12280] =	vst v63  }
0x5d: {  	_ =	swait.ge [sflag:s4], $0x240  }
0x5e: {  	[sflag:s4] =	ssyncset.done $0x0  }
0x5f: {  	[sflag:s4] =	ssyncadd.s32 $0xFFFFFDC0  }
0x60: {  	[tilespmem:s7], [sflag:$0x1] =	stream.indirect.gather [hbm4b:s2+s6], $0x80, s3, s6, $0xb8;
	[tilespmem:$0x12280] =	vst v63  }
0x61: {  	_ =	swait.ge [sflag:s8], $0x12000  }
.Ltmp1:
0x62: {  	[sflag:s8] =	ssyncset.done $0x0;
	(pc) =	sbr.rel @p0 .LBB2_1-.Ltmp1, $4  }
0x63: {  	[sflag:s8] =	ssyncadd.s32 $0xFFFEE000  }
0x64: {  	[hbm4b:s15+s3] =	stream.linear.scatter [tilespmem:s7], [sflag:$0x2], $0x12000, $0x38;
	[tilespmem:$0x12280] =	vst v63  }
0x65: {  	_ =	swait.ge [sflag:s4], $0x12000  }
0x66: {  	[sflag:s4] =	ssyncset.done $0x0  }
.LBB2_2:
0x67: {  	[sflag:s4] =	ssyncadd.s32 $0xFFFEE000  }
0x68: {  	_ =	sfence.sel $0x180000  }
0x69: {  	[bflag:$0x0] =	sbarrier.arrive $0xFFFF  }
0x6a: {  	p0 =	sne.s32 s0, $0x0;
	_ =	strace $0x90000047  }
0x6b: {  	s0 =	sadd.s32 @!p0 $0x100000, s1;
	[bflag:$0x2] =	sbarrier.arrive $0xFFFF  }
0x6c: {  	[sflag:s0] =	ssyncadd.tile.s32 @!p0 $0x1;
	_ =	shalt  }
.Lfunc_end2:
_tile_overlayer_lowered:
.L_overlay_start_2:
0x6d: {  	(tag) =	ssettag $0x2  }
0x6e: {  	s0 =	rddreg [dreg:$0x0];
	s2 =	stileid.u32  }
0x6f: {  	s1 =	rddreg [dreg:$0x1];
	p0 =	sne.s32 s2, $0x0  }
0x70: {  	s3 =	rddreg [dreg:$0x2];
	[bflag:$0x3] =	sbarrier.arrive $0xFFFF;
	s2 =	simm.s32 @!p0 $0x1C02  }
0x71: {  	[timem:s3], [sflag:s2] =	dma.local @!p0 [hbm:s0], s1  }
0x72: {  	s0 =	simm.s32 @!p0 $0x2  }
0x73: {  	_ =	swait.ge @!p0 [sflag:s0], s1  }
0x74: {  	s1 =	ssub.s32 @!p0 $0x0, s1;
	[sflag:s0] =	ssyncset.done @!p0 $0x0  }
0x75: {  	[sflag:s0] =	ssyncadd.s32 @!p0 s1  }
0x76: {  	[bflag:$0x3] =	sbarrier.arrive $0xFFFF  }
0x77: {  	_ =	shalt  }

</sc_bundles>
